<compile_context>
chip_gen: v7x
topology: tpu7x:2x2x1
jax: 0.10.2.dev20260603
libtpu: 0.0.44.dev20260713+nightly
codegen_flags: <defaults>
</compile_context>

<pallas_src>
import functools

import jax
import jax.numpy as jnp
from jax import lax
from jax.experimental import pallas as pl
from jax.experimental.pallas import tpu as pltpu
from jax.experimental.pallas import tpu_sc as plsc

N = 10000
D = 128
H = 128
C = 64
E = 320000

NC = 2
NS = 16
NW = NC * NS
K = 128
STEPS = 80
EPW = K * STEPS
E_PAD = EPW * NW
N_PAD = 10240
RPT = N_PAD // NS
DW = 16
BR = 1024


def _sc_mesh():
    return plsc.VectorSubcoreMesh(core_axis_name="c", subcore_axis_name="s")


def _spmm_sc(g, src, dst, zeros_blk):

    @functools.partial(
        pl.kernel,
        out_type=jax.ShapeDtypeStruct((NC, N_PAD, H), jnp.float32),
        mesh=_sc_mesh(),
        scratch_types=[
            pltpu.VMEM((STEPS, K), jnp.int32),
            pltpu.VMEM((STEPS, K), jnp.int32),
            pltpu.VMEM((K, H), jnp.float32),
            pltpu.VMEM_SHARED((N_PAD, H), jnp.float32),
            pltpu.SemaphoreType.DMA,
        ],
    )
    def run(g_hbm, src_hbm, dst_hbm, z_hbm, out_hbm,
            src_all, dst_all, rows_v, acc, sem):
        cid = lax.axis_index("c")
        sid = lax.axis_index("s")
        wid = sid * NC + cid

        pltpu.sync_copy(z_hbm, acc.at[pl.ds(sid * RPT, RPT)])
        pltpu.sync_copy(src_hbm.at[pl.ds(wid * STEPS, STEPS)], src_all)
        pltpu.sync_copy(dst_hbm.at[pl.ds(wid * STEPS, STEPS)], dst_all)
        plsc.subcore_barrier()

        def body(i, carry):
            pltpu.async_copy(g_hbm.at[src_all.at[i]], rows_v, sem).wait()
            pltpu.sync_copy(rows_v, acc.at[dst_all.at[i]], add=True)
            return carry

        lax.fori_loop(0, STEPS, body, 0)

        plsc.subcore_barrier()
        pltpu.sync_copy(acc.at[pl.ds(sid * RPT, RPT)],
                        out_hbm.at[cid, pl.ds(sid * RPT, RPT)])

    return run(g, src, dst, zeros_blk)


def _deg_sc(dst, zeros_n):

    @functools.partial(
        pl.kernel,
        out_type=jax.ShapeDtypeStruct((NC, NS, N_PAD), jnp.float32),
        mesh=_sc_mesh(),
        compiler_params=pltpu.CompilerParams(needs_layout_passes=False),
        scratch_types=[
            pltpu.VMEM((K,), jnp.int32),
            pltpu.VMEM((N_PAD,), jnp.float32),
        ],
    )
    def run(dst_hbm, zn_hbm, out_hbm, dst_v, deg_ref):
        cid = lax.axis_index("c")
        sid = lax.axis_index("s")
        wid = sid * NC + cid
        wbase = wid * EPW
        pltpu.sync_copy(zn_hbm, deg_ref)
        ones16 = jnp.full((16,), 1.0, jnp.float32)

        def body(i, carry):
            pltpu.sync_copy(dst_hbm.at[pl.ds(wbase + i * K, K)], dst_v)
            for j in range(K // 16):
                idxv = dst_v[pl.ds(j * 16, 16)]
                plsc.addupdate_scatter(deg_ref, [idxv], ones16)
            return carry

        lax.fori_loop(0, STEPS, body, 0)
        pltpu.sync_copy(deg_ref, out_hbm.at[cid, sid])

    return run(dst, zeros_n)


def _init_tc(degp, x, W0):

    def body(deg_ref, x_ref, w_ref, dis_ref, g_ref):
        deg = deg_ref[...].sum(axis=(0, 1))[:, None] + 1.0
        dis = lax.rsqrt(deg)
        dis_ref[...] = dis
        g_ref[...] = dis * jnp.dot(x_ref[...], w_ref[...],
                                   preferred_element_type=jnp.float32)

    return pl.pallas_call(
        body,
        grid=(N_PAD // BR,),
        in_specs=[
            pl.BlockSpec((NC, NS, BR), lambda i: (0, 0, i)),
            pl.BlockSpec((BR, D), lambda i: (i, 0)),
            pl.BlockSpec((D, H), lambda i: (0, 0)),
        ],
        out_specs=[
            pl.BlockSpec((BR, 1), lambda i: (i, 0)),
            pl.BlockSpec((BR, H), lambda i: (i, 0)),
        ],
        out_shape=[
            jax.ShapeDtypeStruct((N_PAD, 1), jnp.float32),
            jax.ShapeDtypeStruct((N_PAD, H), jnp.float32),
        ],
    )(degp, x, W0)


def _fuse_tc(P, g_prev, dis, b, W_next):

    def body(p_ref, g_ref, dis_ref, b_ref, w_ref, h_ref, gn_ref):
        dis = dis_ref[...]
        h = jnp.maximum(dis * (p_ref[0] + p_ref[1] + g_ref[...]) + b_ref[...], 0.0)
        h_ref[...] = h
        gn_ref[...] = dis * jnp.dot(h, w_ref[...],
                                    preferred_element_type=jnp.float32)

    return pl.pallas_call(
        body,
        grid=(N_PAD // BR,),
        in_specs=[
            pl.BlockSpec((NC, BR, H), lambda i: (0, i, 0)),
            pl.BlockSpec((BR, H), lambda i: (i, 0)),
            pl.BlockSpec((BR, 1), lambda i: (i, 0)),
            pl.BlockSpec((1, H), lambda i: (0, 0)),
            pl.BlockSpec((H, H), lambda i: (0, 0)),
        ],
        out_specs=[
            pl.BlockSpec((BR, H), lambda i: (i, 0)),
            pl.BlockSpec((BR, H), lambda i: (i, 0)),
        ],
        out_shape=[
            jax.ShapeDtypeStruct((N_PAD, H), jnp.float32),
            jax.ShapeDtypeStruct((N_PAD, H), jnp.float32),
        ],
    )(P, g_prev, dis, b, W_next)


def _last_tc(P, g_prev, dis, b, h1, h2, h3, Wp, bp):

    def body(p_ref, g_ref, dis_ref, b_ref, h1_ref, h2_ref, h3_ref,
             wp_ref, bp_ref, o_ref):
        h4 = jnp.maximum(
            dis_ref[...] * (p_ref[0] + p_ref[1] + g_ref[...]) + b_ref[...], 0.0)
        hm = jnp.maximum(jnp.maximum(h1_ref[...], h2_ref[...]),
                         jnp.maximum(h3_ref[...], h4))
        o_ref[...] = jnp.dot(hm, wp_ref[...],
                             preferred_element_type=jnp.float32) + bp_ref[...]

    return pl.pallas_call(
        body,
        grid=(N_PAD // BR,),
        in_specs=[
            pl.BlockSpec((NC, BR, H), lambda i: (0, i, 0)),
            pl.BlockSpec((BR, H), lambda i: (i, 0)),
            pl.BlockSpec((BR, 1), lambda i: (i, 0)),
            pl.BlockSpec((1, H), lambda i: (0, 0)),
            pl.BlockSpec((BR, H), lambda i: (i, 0)),
            pl.BlockSpec((BR, H), lambda i: (i, 0)),
            pl.BlockSpec((BR, H), lambda i: (i, 0)),
            pl.BlockSpec((H, H), lambda i: (0, 0)),
            pl.BlockSpec((1, H), lambda i: (0, 0)),
        ],
        out_specs=pl.BlockSpec((BR, H), lambda i: (i, 0)),
        out_shape=jax.ShapeDtypeStruct((N_PAD, H), jnp.float32),
    )(P, g_prev, dis, b, h1, h2, h3, Wp, bp)


def kernel(x, edge_index, W0, b0, W1, b1, W2, b2, W3, b3, Wp, bp):
    src = edge_index[0].astype(jnp.int32)
    dst = edge_index[1].astype(jnp.int32)
    pad = N + (jnp.arange(E_PAD - E, dtype=jnp.int32) % (N_PAD - N))
    src_p = jnp.concatenate([src, pad])
    dst_p = jnp.concatenate([dst, pad])
    src_w = src_p.reshape(NW * STEPS, K)
    dst_w = dst_p.reshape(NW * STEPS, K)
    x_p = jnp.pad(x, ((0, N_PAD - N), (0, 0)))

    zeros_blk = jnp.zeros((RPT, H), jnp.float32)
    zeros_n = jnp.zeros((N_PAD,), jnp.float32)

    Wp_p = jnp.pad(Wp, ((0, 0), (0, H - C)))
    bp_p = jnp.pad(bp, (0, H - C)).reshape(1, H)

    degp = _deg_sc(dst_p, zeros_n)
    dis, g = _init_tc(degp, x_p, W0)

    hs = []
    for (b_cur, W_next) in ((b0, W1), (b1, W2), (b2, W3)):
        P = _spmm_sc(g, src_w, dst_w, zeros_blk)
        h, g = _fuse_tc(P, g, dis, b_cur.reshape(1, H), W_next)
        hs.append(h)

    P = _spmm_sc(g, src_w, dst_w, zeros_blk)
    out = _last_tc(P, g, dis, b3.reshape(1, H), hs[0], hs[1], hs[2],
                   Wp_p, bp_p)
    return out[:N, :C]

# --- scband reference (transcript-rebuilt; emitter-appended) ---
"""Pipeline reference for scband-jump-know-gcn-68899865362570 (READ-ONLY COPY).

The authoritative reference and input builder live on the scoring server;
editing this copy changes nothing except your own understanding.
"""

import jax, jax.numpy as jnp
import numpy as np

N, E, D, H, C = 10000, 320000, 128, 128, 64


def _gcn_conv(x, src, dst, W, b):
    n = x.shape[0]
    h = x @ W
    deg = jnp.zeros((n,), dtype=h.dtype).at[dst].add(1.0)
    dis = jnp.where(deg > 0, jax.lax.rsqrt(jnp.maximum(deg, 1e-12)), 0.0)
    norm = dis[src] * dis[dst]
    msg = h[src] * norm[:, None]
    out = jnp.zeros_like(h).at[dst].add(msg)
    return out + b


def _forward(x, edge_index, params):
    n = x.shape[0]
    loop = jnp.arange(n, dtype=edge_index.dtype)
    src = jnp.concatenate([edge_index[0], loop])
    dst = jnp.concatenate([edge_index[1], loop])
    hs = []
    h = x
    for (W, b) in params[:-1]:
        h = _gcn_conv(h, src, dst, W, b)
        h = jax.nn.relu(h)
        hs.append(h)
    h = jnp.max(jnp.stack(hs, axis=0), axis=0)
    Wp, bp = params[-1]
    return h @ Wp + bp


def setup_inputs(seed: int = 0):
    key = jax.random.key(seed)
    ks = jax.random.split(key, 12)
    x = jax.random.normal(ks[0], (N, D), dtype=jnp.float32)
    edge_index = jax.random.randint(ks[1], (2, E), 0, N, dtype=jnp.int32)
    u = lambda k, s: jax.random.uniform(k, s, minval=-0.1, maxval=0.1, dtype=jnp.float32)
    inp = {"x": x, "edge_index": edge_index}
    dims = [(D, H), (H, H), (H, H), (H, H)]
    for i, (di, do) in enumerate(dims):
        inp["W%d" % i] = u(ks[2 + 2 * i], (di, do))
        inp["b%d" % i] = u(ks[3 + 2 * i], (do,))
    inp["Wp"] = u(ks[10], (H, C))
    inp["bp"] = u(ks[11], (C,))
    return inp


def reference(x, edge_index, W0, b0, W1, b1, W2, b2, W3, b3, Wp, bp):
    params = [(W0, b0), (W1, b1), (W2, b2), (W3, b3), (Wp, bp)]
    return _forward(x, edge_index, params)

if __name__ == "__main__":
    import jax
    _d = setup_inputs()
    print(jax.jit(kernel)(*tuple(_d.values())))

</pallas_src>

<mosaic_0001>
#map = affine_map<(d0, d1) -> (0, 0)>
#map1 = affine_map<(d0, d1) -> (0, 0, 0)>
module attributes {stable_mosaic.version = 14 : i64} {
  func.func @run(%arg0: i32, %arg1: i32, %arg2: memref<10240x128xf32, #tpu.memory_space<hbm>>, %arg3: memref<2560x128xi32, #tpu.memory_space<hbm>>, %arg4: memref<2560x128xi32, #tpu.memory_space<hbm>>, %arg5: memref<640x128xf32, #tpu.memory_space<hbm>>, %arg6: memref<2x10240x128xf32, #tpu.memory_space<hbm>>, %arg7: memref<80x128xi32, #tpu.memory_space<vmem>>, %arg8: memref<80x128xi32, #tpu.memory_space<vmem>>, %arg9: memref<128x128xf32, #tpu.memory_space<vmem>>, %arg10: memref<10240x128xf32, #tpu.memory_space<vmem_shared>>, %arg11: memref<!tpu.dma_semaphore, #tpu.memory_space<semaphore_mem>>) attributes {dimension_semantics = [#tpu.dimension_semantics<core_parallel>, #tpu.dimension_semantics<subcore_parallel>], iteration_bounds = array<i64: 2, 16>, scalar_prefetch = 0 : i64, scratch_operands = 5 : i64, tpu.core_type = #tpu.core_type<sc_vector_subcore>, window_params = [{transform_indices = #map}, {transform_indices = #map}, {transform_indices = #map}, {transform_indices = #map}, {transform_indices = #map1}]} {
    %mul3A = arith.constant 2 : i32
    %mul3A_0 = arith.muli %arg1, %mul3A : i32
    %add3A = arith.addi %mul3A_0, %arg0 : i32
    %mul3A_1 = arith.constant 640 : i32
    %mul3A_2 = arith.muli %arg1, %mul3A_1 : i32
    "tpu.region"() ({
      %run_scoped3A = tpu.sem_alloc : memref<!tpu.dma_semaphore, #tpu.memory_space<semaphore_mem>>
      %dma_start3A = arith.constant 0 : i32
      %dma_start3A_17 = tpu.memref_slice %arg10[%mul3A_2, %dma_start3A] : memref<10240x128xf32, #tpu.memory_space<vmem_shared>> -> memref<640x128xf32, #tpu.memory_space<vmem_shared>>
      tpu.enqueue_dma source(%arg5 : memref<640x128xf32, #tpu.memory_space<hbm>>) target(%dma_start3A_17 : memref<640x128xf32, #tpu.memory_space<vmem_shared>>) target_semaphore(%run_scoped3A : memref<!tpu.dma_semaphore, #tpu.memory_space<semaphore_mem>>)
      %dma_wait3A = arith.constant 0 : i32
      %dma_wait3A_18 = tpu.memref_slice %arg10[%mul3A_2, %dma_wait3A] : memref<10240x128xf32, #tpu.memory_space<vmem_shared>> -> memref<640x128xf32, #tpu.memory_space<vmem_shared>>
      tpu.wait_dma2 semaphore(%run_scoped3A : memref<!tpu.dma_semaphore, #tpu.memory_space<semaphore_mem>>) src(%arg5 : memref<640x128xf32, #tpu.memory_space<hbm>>) dst(%dma_wait3A_18 : memref<640x128xf32, #tpu.memory_space<vmem_shared>>)
      tpu.yield
    }) : () -> ()
    %mul3A_3 = arith.constant 80 : i32
    %mul3A_4 = arith.muli %add3A, %mul3A_3 : i32
    "tpu.region"() ({
      %run_scoped3A = tpu.sem_alloc : memref<!tpu.dma_semaphore, #tpu.memory_space<semaphore_mem>>
      %dma_start3A = arith.constant 0 : i32
      %dma_start3A_17 = tpu.memref_slice %arg3[%mul3A_4, %dma_start3A] : memref<2560x128xi32, #tpu.memory_space<hbm>> -> memref<80x128xi32, #tpu.memory_space<hbm>>
      %dma_start3A_18 = arith.constant 0 : i32
      %dma_start3A_19 = tpu.memref_slice %arg3[%mul3A_4, %dma_start3A_18] : memref<2560x128xi32, #tpu.memory_space<hbm>> -> memref<80x128xi32, #tpu.memory_space<hbm>>
      tpu.enqueue_dma source(%dma_start3A_19 : memref<80x128xi32, #tpu.memory_space<hbm>>) target(%arg7 : memref<80x128xi32, #tpu.memory_space<vmem>>) target_semaphore(%run_scoped3A : memref<!tpu.dma_semaphore, #tpu.memory_space<semaphore_mem>>)
      %dma_wait3A = arith.constant 0 : i32
      %dma_wait3A_20 = tpu.memref_slice %arg3[%mul3A_4, %dma_wait3A] : memref<2560x128xi32, #tpu.memory_space<hbm>> -> memref<80x128xi32, #tpu.memory_space<hbm>>
      %dma_wait3A_21 = arith.constant 0 : i32
      %dma_wait3A_22 = tpu.memref_slice %arg3[%mul3A_4, %dma_wait3A_21] : memref<2560x128xi32, #tpu.memory_space<hbm>> -> memref<80x128xi32, #tpu.memory_space<hbm>>
      tpu.wait_dma2 semaphore(%run_scoped3A : memref<!tpu.dma_semaphore, #tpu.memory_space<semaphore_mem>>) src(%dma_wait3A_22 : memref<80x128xi32, #tpu.memory_space<hbm>>) dst(%arg7 : memref<80x128xi32, #tpu.memory_space<vmem>>)
      tpu.yield
    }) : () -> ()
    %mul3A_5 = arith.constant 80 : i32
    %mul3A_6 = arith.muli %add3A, %mul3A_5 : i32
    "tpu.region"() ({
      %run_scoped3A = tpu.sem_alloc : memref<!tpu.dma_semaphore, #tpu.memory_space<semaphore_mem>>
      %dma_start3A = arith.constant 0 : i32
      %dma_start3A_17 = tpu.memref_slice %arg4[%mul3A_6, %dma_start3A] : memref<2560x128xi32, #tpu.memory_space<hbm>> -> memref<80x128xi32, #tpu.memory_space<hbm>>
      %dma_start3A_18 = arith.constant 0 : i32
      %dma_start3A_19 = tpu.memref_slice %arg4[%mul3A_6, %dma_start3A_18] : memref<2560x128xi32, #tpu.memory_space<hbm>> -> memref<80x128xi32, #tpu.memory_space<hbm>>
      tpu.enqueue_dma source(%dma_start3A_19 : memref<80x128xi32, #tpu.memory_space<hbm>>) target(%arg8 : memref<80x128xi32, #tpu.memory_space<vmem>>) target_semaphore(%run_scoped3A : memref<!tpu.dma_semaphore, #tpu.memory_space<semaphore_mem>>)
      %dma_wait3A = arith.constant 0 : i32
      %dma_wait3A_20 = tpu.memref_slice %arg4[%mul3A_6, %dma_wait3A] : memref<2560x128xi32, #tpu.memory_space<hbm>> -> memref<80x128xi32, #tpu.memory_space<hbm>>
      %dma_wait3A_21 = arith.constant 0 : i32
      %dma_wait3A_22 = tpu.memref_slice %arg4[%mul3A_6, %dma_wait3A_21] : memref<2560x128xi32, #tpu.memory_space<hbm>> -> memref<80x128xi32, #tpu.memory_space<hbm>>
      tpu.wait_dma2 semaphore(%run_scoped3A : memref<!tpu.dma_semaphore, #tpu.memory_space<semaphore_mem>>) src(%dma_wait3A_22 : memref<80x128xi32, #tpu.memory_space<hbm>>) dst(%arg8 : memref<80x128xi32, #tpu.memory_space<vmem>>)
      tpu.yield
    }) : () -> ()
    %barrier3A = arith.constant 0 : index
    tpu.barrier barrier_id(%barrier3A)
    %scan3A = arith.constant 0 : i32
    %scan3A_7 = arith.constant 0 : i32
    %scan3A_8 = arith.constant 80 : i32
    %scan3A_9 = arith.addi %scan3A_7, %scan3A_8 : i32
    %scan3A_10 = arith.constant 1 : i32
    scf.for %scan3A_17 = %scan3A_7 to %scan3A_9 step %scan3A_10  : i32 {
      %dma_start3A = arith.constant 0 : i32
      %dma_start3A_18 = tpu.memref_slice %arg7[%scan3A_17, %dma_start3A] : memref<80x128xi32, #tpu.memory_space<vmem>> -> memref<1x128xi32, #tpu.memory_space<vmem>>
      %dma_start3A_19 = tpu.memref_squeeze %dma_start3A_18 : memref<1x128xi32, #tpu.memory_space<vmem>> -> memref<128xi32, #tpu.memory_space<vmem>>
      %dma_start3A_20 = arith.constant 0 : i32
      %dma_start3A_21 = arith.constant 0 : i32
      %dma_start3A_22 = tpu.memref_slice %arg2[%dma_start3A_20, %dma_start3A_21] : memref<10240x128xf32, #tpu.memory_space<hbm>> -> memref<10240x128xf32, #tpu.memory_space<hbm>>
      tpu.enqueue_indirect_dma source(%dma_start3A_22 : memref<10240x128xf32, #tpu.memory_space<hbm>>) target(%arg9 : memref<128x128xf32, #tpu.memory_space<vmem>>) offsets(%dma_start3A_19 : memref<128xi32, #tpu.memory_space<vmem>>) semaphore(%arg11 : memref<!tpu.dma_semaphore, #tpu.memory_space<semaphore_mem>>)
      %dma_wait3A = arith.constant 0 : i32
      %dma_wait3A_23 = tpu.memref_slice %arg7[%scan3A_17, %dma_wait3A] : memref<80x128xi32, #tpu.memory_space<vmem>> -> memref<1x128xi32, #tpu.memory_space<vmem>>
      %dma_wait3A_24 = tpu.memref_squeeze %dma_wait3A_23 : memref<1x128xi32, #tpu.memory_space<vmem>> -> memref<128xi32, #tpu.memory_space<vmem>>
      %dma_wait3A_25 = arith.constant 0 : i32
      %dma_wait3A_26 = arith.constant 0 : i32
      %dma_wait3A_27 = tpu.memref_slice %arg2[%dma_wait3A_25, %dma_wait3A_26] : memref<10240x128xf32, #tpu.memory_space<hbm>> -> memref<10240x128xf32, #tpu.memory_space<hbm>>
      tpu.wait_indirect_dma semaphore(%arg11 : memref<!tpu.dma_semaphore, #tpu.memory_space<semaphore_mem>>) src(%dma_wait3A_27 : memref<10240x128xf32, #tpu.memory_space<hbm>>) dst(%arg9 : memref<128x128xf32, #tpu.memory_space<vmem>>)
      "tpu.region"() ({
        %run_scoped3A = tpu.sem_alloc : memref<!tpu.dma_semaphore, #tpu.memory_space<semaphore_mem>>
        %dma_start3A_28 = arith.constant 0 : i32
        %dma_start3A_29 = tpu.memref_slice %arg8[%scan3A_17, %dma_start3A_28] : memref<80x128xi32, #tpu.memory_space<vmem>> -> memref<1x128xi32, #tpu.memory_space<vmem>>
        %dma_start3A_30 = tpu.memref_squeeze %dma_start3A_29 : memref<1x128xi32, #tpu.memory_space<vmem>> -> memref<128xi32, #tpu.memory_space<vmem>>
        %dma_start3A_31 = arith.constant 0 : i32
        %dma_start3A_32 = arith.constant 0 : i32
        %dma_start3A_33 = tpu.memref_slice %arg10[%dma_start3A_31, %dma_start3A_32] : memref<10240x128xf32, #tpu.memory_space<vmem_shared>> -> memref<10240x128xf32, #tpu.memory_space<vmem_shared>>
        tpu.enqueue_indirect_dma source(%arg9 : memref<128x128xf32, #tpu.memory_space<vmem>>) target(%dma_start3A_33 : memref<10240x128xf32, #tpu.memory_space<vmem_shared>>) offsets(%dma_start3A_30 : memref<128xi32, #tpu.memory_space<vmem>>) semaphore(%run_scoped3A : memref<!tpu.dma_semaphore, #tpu.memory_space<semaphore_mem>>) {add = true}
        %dma_wait3A_34 = arith.constant 0 : i32
        %dma_wait3A_35 = tpu.memref_slice %arg8[%scan3A_17, %dma_wait3A_34] : memref<80x128xi32, #tpu.memory_space<vmem>> -> memref<1x128xi32, #tpu.memory_space<vmem>>
        %dma_wait3A_36 = tpu.memref_squeeze %dma_wait3A_35 : memref<1x128xi32, #tpu.memory_space<vmem>> -> memref<128xi32, #tpu.memory_space<vmem>>
        %dma_wait3A_37 = arith.constant 0 : i32
        %dma_wait3A_38 = arith.constant 0 : i32
        %dma_wait3A_39 = tpu.memref_slice %arg10[%dma_wait3A_37, %dma_wait3A_38] : memref<10240x128xf32, #tpu.memory_space<vmem_shared>> -> memref<10240x128xf32, #tpu.memory_space<vmem_shared>>
        tpu.wait_indirect_dma semaphore(%run_scoped3A : memref<!tpu.dma_semaphore, #tpu.memory_space<semaphore_mem>>) src(%arg9 : memref<128x128xf32, #tpu.memory_space<vmem>>) dst(%dma_wait3A_39 : memref<10240x128xf32, #tpu.memory_space<vmem_shared>>)
        tpu.yield
      }) : () -> ()
    }
    %scan3A_11 = arith.constant 80 : i32
    %barrier3A_12 = arith.constant 0 : index
    tpu.barrier barrier_id(%barrier3A_12)
    %mul3A_13 = arith.constant 640 : i32
    %mul3A_14 = arith.muli %arg1, %mul3A_13 : i32
    %mul3A_15 = arith.constant 640 : i32
    %mul3A_16 = arith.muli %arg1, %mul3A_15 : i32
    "tpu.region"() ({
      %run_scoped3A = tpu.sem_alloc : memref<!tpu.dma_semaphore, #tpu.memory_space<semaphore_mem>>
      %dma_start3A = arith.constant 0 : i32
      %dma_start3A_17 = tpu.memref_slice %arg6[%arg0, %mul3A_16, %dma_start3A] : memref<2x10240x128xf32, #tpu.memory_space<hbm>> -> memref<1x640x128xf32, #tpu.memory_space<hbm>>
      %dma_start3A_18 = tpu.memref_squeeze %dma_start3A_17 : memref<1x640x128xf32, #tpu.memory_space<hbm>> -> memref<640x128xf32, #tpu.memory_space<hbm>>
      %dma_start3A_19 = arith.constant 0 : i32
      %dma_start3A_20 = tpu.memref_slice %arg10[%mul3A_14, %dma_start3A_19] : memref<10240x128xf32, #tpu.memory_space<vmem_shared>> -> memref<640x128xf32, #tpu.memory_space<vmem_shared>>
      tpu.enqueue_dma source(%dma_start3A_20 : memref<640x128xf32, #tpu.memory_space<vmem_shared>>) target(%dma_start3A_18 : memref<640x128xf32, #tpu.memory_space<hbm>>) target_semaphore(%run_scoped3A : memref<!tpu.dma_semaphore, #tpu.memory_space<semaphore_mem>>)
      %dma_wait3A = arith.constant 0 : i32
      %dma_wait3A_21 = tpu.memref_slice %arg6[%arg0, %mul3A_16, %dma_wait3A] : memref<2x10240x128xf32, #tpu.memory_space<hbm>> -> memref<1x640x128xf32, #tpu.memory_space<hbm>>
      %dma_wait3A_22 = tpu.memref_squeeze %dma_wait3A_21 : memref<1x640x128xf32, #tpu.memory_space<hbm>> -> memref<640x128xf32, #tpu.memory_space<hbm>>
      %dma_wait3A_23 = arith.constant 0 : i32
      %dma_wait3A_24 = tpu.memref_slice %arg10[%mul3A_14, %dma_wait3A_23] : memref<10240x128xf32, #tpu.memory_space<vmem_shared>> -> memref<640x128xf32, #tpu.memory_space<vmem_shared>>
      tpu.wait_dma2 semaphore(%run_scoped3A : memref<!tpu.dma_semaphore, #tpu.memory_space<semaphore_mem>>) src(%dma_wait3A_24 : memref<640x128xf32, #tpu.memory_space<vmem_shared>>) dst(%dma_wait3A_22 : memref<640x128xf32, #tpu.memory_space<hbm>>)
      tpu.yield
    }) : () -> ()
    return
  }
}

#map = affine_map<(d0, d1) -> (0)>
#map1 = affine_map<(d0, d1) -> (0, 0, 0)>
module attributes {stable_mosaic.version = 14 : i64} {
  func.func @run(%arg0: i32, %arg1: i32, %arg2: memref<327680xi32, #tpu.memory_space<hbm>>, %arg3: memref<10240xf32, #tpu.memory_space<hbm>>, %arg4: memref<2x16x10240xf32, #tpu.memory_space<hbm>>, %arg5: memref<128xi32, #tpu.memory_space<vmem>>, %arg6: memref<10240xf32, #tpu.memory_space<vmem>>) attributes {dimension_semantics = [#tpu.dimension_semantics<core_parallel>, #tpu.dimension_semantics<subcore_parallel>], iteration_bounds = array<i64: 2, 16>, scalar_prefetch = 0 : i64, scratch_operands = 2 : i64, tpu.core_type = #tpu.core_type<sc_vector_subcore>, window_params = [{transform_indices = #map}, {transform_indices = #map}, {transform_indices = #map1}]} {
    %mul3A = arith.constant 2 : i32
    %mul3A_0 = arith.muli %arg1, %mul3A : i32
    %add3A = arith.addi %mul3A_0, %arg0 : i32
    %mul3A_1 = arith.constant 10240 : i32
    %mul3A_2 = arith.muli %add3A, %mul3A_1 : i32
    "tpu.region"() ({
      %run_scoped3A = tpu.sem_alloc : memref<!tpu.dma_semaphore, #tpu.memory_space<semaphore_mem>>
      tpu.enqueue_dma source(%arg3 : memref<10240xf32, #tpu.memory_space<hbm>>) target(%arg6 : memref<10240xf32, #tpu.memory_space<vmem>>) target_semaphore(%run_scoped3A : memref<!tpu.dma_semaphore, #tpu.memory_space<semaphore_mem>>)
      tpu.wait_dma2 semaphore(%run_scoped3A : memref<!tpu.dma_semaphore, #tpu.memory_space<semaphore_mem>>) src(%arg3 : memref<10240xf32, #tpu.memory_space<hbm>>) dst(%arg6 : memref<10240xf32, #tpu.memory_space<vmem>>)
      tpu.yield
    }) : () -> ()
    %broadcast_in_dim3A = arith.constant 1.000000e+00 : f32
    %broadcast_in_dim3A_3 = vector.broadcast %broadcast_in_dim3A : f32 to vector<16xf32>
    %scan3A = arith.constant 0 : i32
    %scan3A_4 = arith.constant 0 : i32
    %scan3A_5 = arith.constant 80 : i32
    %scan3A_6 = arith.addi %scan3A_4, %scan3A_5 : i32
    %scan3A_7 = arith.constant 1 : i32
    scf.for %scan3A_9 = %scan3A_4 to %scan3A_6 step %scan3A_7  : i32 {
      %mul3A_10 = arith.constant 128 : i32
      %mul3A_11 = arith.muli %scan3A_9, %mul3A_10 : i32
      %add3A_12 = arith.addi %mul3A_2, %mul3A_11 : i32
      "tpu.region"() ({
        %run_scoped3A = tpu.sem_alloc : memref<!tpu.dma_semaphore, #tpu.memory_space<semaphore_mem>>
        %dma_start3A = tpu.memref_slice %arg2[%add3A_12] : memref<327680xi32, #tpu.memory_space<hbm>> -> memref<128xi32, #tpu.memory_space<hbm>>
        %dma_start3A_28 = tpu.memref_slice %arg2[%add3A_12] : memref<327680xi32, #tpu.memory_space<hbm>> -> memref<128xi32, #tpu.memory_space<hbm>>
        tpu.enqueue_dma source(%dma_start3A_28 : memref<128xi32, #tpu.memory_space<hbm>>) target(%arg5 : memref<128xi32, #tpu.memory_space<vmem>>) target_semaphore(%run_scoped3A : memref<!tpu.dma_semaphore, #tpu.memory_space<semaphore_mem>>)
        %dma_wait3A = tpu.memref_slice %arg2[%add3A_12] : memref<327680xi32, #tpu.memory_space<hbm>> -> memref<128xi32, #tpu.memory_space<hbm>>
        %dma_wait3A_29 = tpu.memref_slice %arg2[%add3A_12] : memref<327680xi32, #tpu.memory_space<hbm>> -> memref<128xi32, #tpu.memory_space<hbm>>
        tpu.wait_dma2 semaphore(%run_scoped3A : memref<!tpu.dma_semaphore, #tpu.memory_space<semaphore_mem>>) src(%dma_wait3A_29 : memref<128xi32, #tpu.memory_space<hbm>>) dst(%arg5 : memref<128xi32, #tpu.memory_space<vmem>>)
        tpu.yield
      }) : () -> ()
      %get3A = arith.constant 0 : index
      %get3A_13 = tpu.vector_load %arg5[%get3A] {strides = array<i32>} : memref<128xi32, #tpu.memory_space<vmem>>, vector<16xi32>,
      tpu.vector_store_idx %arg6[%get3A_13], %broadcast_in_dim3A_3 {add = true} : memref<10240xf32, #tpu.memory_space<vmem>>[vector<16xi32>], vector<16xf32>,
      %get3A_14 = arith.constant 16 : index
      %get3A_15 = tpu.vector_load %arg5[%get3A_14] {strides = array<i32>} : memref<128xi32, #tpu.memory_space<vmem>>, vector<16xi32>,
      tpu.vector_store_idx %arg6[%get3A_15], %broadcast_in_dim3A_3 {add = true} : memref<10240xf32, #tpu.memory_space<vmem>>[vector<16xi32>], vector<16xf32>,
      %get3A_16 = arith.constant 32 : index
      %get3A_17 = tpu.vector_load %arg5[%get3A_16] {strides = array<i32>} : memref<128xi32, #tpu.memory_space<vmem>>, vector<16xi32>,
      tpu.vector_store_idx %arg6[%get3A_17], %broadcast_in_dim3A_3 {add = true} : memref<10240xf32, #tpu.memory_space<vmem>>[vector<16xi32>], vector<16xf32>,
      %get3A_18 = arith.constant 48 : index
      %get3A_19 = tpu.vector_load %arg5[%get3A_18] {strides = array<i32>} : memref<128xi32, #tpu.memory_space<vmem>>, vector<16xi32>,
      tpu.vector_store_idx %arg6[%get3A_19], %broadcast_in_dim3A_3 {add = true} : memref<10240xf32, #tpu.memory_space<vmem>>[vector<16xi32>], vector<16xf32>,
      %get3A_20 = arith.constant 64 : index
      %get3A_21 = tpu.vector_load %arg5[%get3A_20] {strides = array<i32>} : memref<128xi32, #tpu.memory_space<vmem>>, vector<16xi32>,
      tpu.vector_store_idx %arg6[%get3A_21], %broadcast_in_dim3A_3 {add = true} : memref<10240xf32, #tpu.memory_space<vmem>>[vector<16xi32>], vector<16xf32>,
      %get3A_22 = arith.constant 80 : index
      %get3A_23 = tpu.vector_load %arg5[%get3A_22] {strides = array<i32>} : memref<128xi32, #tpu.memory_space<vmem>>, vector<16xi32>,
      tpu.vector_store_idx %arg6[%get3A_23], %broadcast_in_dim3A_3 {add = true} : memref<10240xf32, #tpu.memory_space<vmem>>[vector<16xi32>], vector<16xf32>,
      %get3A_24 = arith.constant 96 : index
      %get3A_25 = tpu.vector_load %arg5[%get3A_24] {strides = array<i32>} : memref<128xi32, #tpu.memory_space<vmem>>, vector<16xi32>,
      tpu.vector_store_idx %arg6[%get3A_25], %broadcast_in_dim3A_3 {add = true} : memref<10240xf32, #tpu.memory_space<vmem>>[vector<16xi32>], vector<16xf32>,
      %get3A_26 = arith.constant 112 : index
      %get3A_27 = tpu.vector_load %arg5[%get3A_26] {strides = array<i32>} : memref<128xi32, #tpu.memory_space<vmem>>, vector<16xi32>,
      tpu.vector_store_idx %arg6[%get3A_27], %broadcast_in_dim3A_3 {add = true} : memref<10240xf32, #tpu.memory_space<vmem>>[vector<16xi32>], vector<16xf32>,
    }
    %scan3A_8 = arith.constant 80 : i32
    "tpu.region"() ({
      %run_scoped3A = tpu.sem_alloc : memref<!tpu.dma_semaphore, #tpu.memory_space<semaphore_mem>>
      %dma_start3A = arith.constant 0 : i32
      %dma_start3A_9 = tpu.memref_slice %arg4[%arg0, %arg1, %dma_start3A] : memref<2x16x10240xf32, #tpu.memory_space<hbm>> -> memref<1x1x10240xf32, #tpu.memory_space<hbm>>
      %dma_start3A_10 = tpu.memref_squeeze %dma_start3A_9 : memref<1x1x10240xf32, #tpu.memory_space<hbm>> -> memref<10240xf32, #tpu.memory_space<hbm>>
      %dma_start3A_11 = arith.constant 0 : i32
      %dma_start3A_12 = tpu.memref_slice %arg4[%arg0, %arg1, %dma_start3A_11] : memref<2x16x10240xf32, #tpu.memory_space<hbm>> -> memref<1x1x10240xf32, #tpu.memory_space<hbm>>
      %dma_start3A_13 = tpu.memref_squeeze %dma_start3A_12 : memref<1x1x10240xf32, #tpu.memory_space<hbm>> -> memref<10240xf32, #tpu.memory_space<hbm>>
      tpu.enqueue_dma source(%arg6 : memref<10240xf32, #tpu.memory_space<vmem>>) target(%dma_start3A_13 : memref<10240xf32, #tpu.memory_space<hbm>>) target_semaphore(%run_scoped3A : memref<!tpu.dma_semaphore, #tpu.memory_space<semaphore_mem>>)
      %dma_wait3A = arith.constant 0 : i32
      %dma_wait3A_14 = tpu.memref_slice %arg4[%arg0, %arg1, %dma_wait3A] : memref<2x16x10240xf32, #tpu.memory_space<hbm>> -> memref<1x1x10240xf32, #tpu.memory_space<hbm>>
      %dma_wait3A_15 = tpu.memref_squeeze %dma_wait3A_14 : memref<1x1x10240xf32, #tpu.memory_space<hbm>> -> memref<10240xf32, #tpu.memory_space<hbm>>
      %dma_wait3A_16 = arith.constant 0 : i32
      %dma_wait3A_17 = tpu.memref_slice %arg4[%arg0, %arg1, %dma_wait3A_16] : memref<2x16x10240xf32, #tpu.memory_space<hbm>> -> memref<1x1x10240xf32, #tpu.memory_space<hbm>>
      %dma_wait3A_18 = tpu.memref_squeeze %dma_wait3A_17 : memref<1x1x10240xf32, #tpu.memory_space<hbm>> -> memref<10240xf32, #tpu.memory_space<hbm>>
      tpu.wait_dma2 semaphore(%run_scoped3A : memref<!tpu.dma_semaphore, #tpu.memory_space<semaphore_mem>>) src(%arg6 : memref<10240xf32, #tpu.memory_space<vmem>>) dst(%dma_wait3A_18 : memref<10240xf32, #tpu.memory_space<hbm>>)
      tpu.yield
    }) : () -> ()
    return
  }
}

#map = affine_map<(d0, d1) -> (0, 0)>
#map1 = affine_map<(d0, d1) -> (0, 0, 0)>
module attributes {stable_mosaic.version = 14 : i64} {
  func.func @run(%arg0: i32, %arg1: i32, %arg2: memref<10240x128xf32, #tpu.memory_space<hbm>>, %arg3: memref<2560x128xi32, #tpu.memory_space<hbm>>, %arg4: memref<2560x128xi32, #tpu.memory_space<hbm>>, %arg5: memref<640x128xf32, #tpu.memory_space<hbm>>, %arg6: memref<2x10240x128xf32, #tpu.memory_space<hbm>>, %arg7: memref<80x128xi32, #tpu.memory_space<vmem>>, %arg8: memref<80x128xi32, #tpu.memory_space<vmem>>, %arg9: memref<128x128xf32, #tpu.memory_space<vmem>>, %arg10: memref<10240x128xf32, #tpu.memory_space<vmem_shared>>, %arg11: memref<!tpu.dma_semaphore, #tpu.memory_space<semaphore_mem>>) attributes {dimension_semantics = [#tpu.dimension_semantics<core_parallel>, #tpu.dimension_semantics<subcore_parallel>], iteration_bounds = array<i64: 2, 16>, scalar_prefetch = 0 : i64, scratch_operands = 5 : i64, tpu.core_type = #tpu.core_type<sc_vector_subcore>, window_params = [{transform_indices = #map}, {transform_indices = #map}, {transform_indices = #map}, {transform_indices = #map}, {transform_indices = #map1}]} {
    %mul3A = arith.constant 2 : i32
    %mul3A_0 = arith.muli %arg1, %mul3A : i32
    %add3A = arith.addi %mul3A_0, %arg0 : i32
    %mul3A_1 = arith.constant 640 : i32
    %mul3A_2 = arith.muli %arg1, %mul3A_1 : i32
    "tpu.region"() ({
      %run_scoped3A = tpu.sem_alloc : memref<!tpu.dma_semaphore, #tpu.memory_space<semaphore_mem>>
      %dma_start3A = arith.constant 0 : i32
      %dma_start3A_17 = tpu.memref_slice %arg10[%mul3A_2, %dma_start3A] : memref<10240x128xf32, #tpu.memory_space<vmem_shared>> -> memref<640x128xf32, #tpu.memory_space<vmem_shared>>
      tpu.enqueue_dma source(%arg5 : memref<640x128xf32, #tpu.memory_space<hbm>>) target(%dma_start3A_17 : memref<640x128xf32, #tpu.memory_space<vmem_shared>>) target_semaphore(%run_scoped3A : memref<!tpu.dma_semaphore, #tpu.memory_space<semaphore_mem>>)
      %dma_wait3A = arith.constant 0 : i32
      %dma_wait3A_18 = tpu.memref_slice %arg10[%mul3A_2, %dma_wait3A] : memref<10240x128xf32, #tpu.memory_space<vmem_shared>> -> memref<640x128xf32, #tpu.memory_space<vmem_shared>>
      tpu.wait_dma2 semaphore(%run_scoped3A : memref<!tpu.dma_semaphore, #tpu.memory_space<semaphore_mem>>) src(%arg5 : memref<640x128xf32, #tpu.memory_space<hbm>>) dst(%dma_wait3A_18 : memref<640x128xf32, #tpu.memory_space<vmem_shared>>)
      tpu.yield
    }) : () -> ()
    %mul3A_3 = arith.constant 80 : i32
    %mul3A_4 = arith.muli %add3A, %mul3A_3 : i32
    "tpu.region"() ({
      %run_scoped3A = tpu.sem_alloc : memref<!tpu.dma_semaphore, #tpu.memory_space<semaphore_mem>>
      %dma_start3A = arith.constant 0 : i32
      %dma_start3A_17 = tpu.memref_slice %arg3[%mul3A_4, %dma_start3A] : memref<2560x128xi32, #tpu.memory_space<hbm>> -> memref<80x128xi32, #tpu.memory_space<hbm>>
      %dma_start3A_18 = arith.constant 0 : i32
      %dma_start3A_19 = tpu.memref_slice %arg3[%mul3A_4, %dma_start3A_18] : memref<2560x128xi32, #tpu.memory_space<hbm>> -> memref<80x128xi32, #tpu.memory_space<hbm>>
      tpu.enqueue_dma source(%dma_start3A_19 : memref<80x128xi32, #tpu.memory_space<hbm>>) target(%arg7 : memref<80x128xi32, #tpu.memory_space<vmem>>) target_semaphore(%run_scoped3A : memref<!tpu.dma_semaphore, #tpu.memory_space<semaphore_mem>>)
      %dma_wait3A = arith.constant 0 : i32
      %dma_wait3A_20 = tpu.memref_slice %arg3[%mul3A_4, %dma_wait3A] : memref<2560x128xi32, #tpu.memory_space<hbm>> -> memref<80x128xi32, #tpu.memory_space<hbm>>
      %dma_wait3A_21 = arith.constant 0 : i32
      %dma_wait3A_22 = tpu.memref_slice %arg3[%mul3A_4, %dma_wait3A_21] : memref<2560x128xi32, #tpu.memory_space<hbm>> -> memref<80x128xi32, #tpu.memory_space<hbm>>
      tpu.wait_dma2 semaphore(%run_scoped3A : memref<!tpu.dma_semaphore, #tpu.memory_space<semaphore_mem>>) src(%dma_wait3A_22 : memref<80x128xi32, #tpu.memory_space<hbm>>) dst(%arg7 : memref<80x128xi32, #tpu.memory_space<vmem>>)
      tpu.yield
    }) : () -> ()
    %mul3A_5 = arith.constant 80 : i32
    %mul3A_6 = arith.muli %add3A, %mul3A_5 : i32
    "tpu.region"() ({
      %run_scoped3A = tpu.sem_alloc : memref<!tpu.dma_semaphore, #tpu.memory_space<semaphore_mem>>
      %dma_start3A = arith.constant 0 : i32
      %dma_start3A_17 = tpu.memref_slice %arg4[%mul3A_6, %dma_start3A] : memref<2560x128xi32, #tpu.memory_space<hbm>> -> memref<80x128xi32, #tpu.memory_space<hbm>>
      %dma_start3A_18 = arith.constant 0 : i32
      %dma_start3A_19 = tpu.memref_slice %arg4[%mul3A_6, %dma_start3A_18] : memref<2560x128xi32, #tpu.memory_space<hbm>> -> memref<80x128xi32, #tpu.memory_space<hbm>>
      tpu.enqueue_dma source(%dma_start3A_19 : memref<80x128xi32, #tpu.memory_space<hbm>>) target(%arg8 : memref<80x128xi32, #tpu.memory_space<vmem>>) target_semaphore(%run_scoped3A : memref<!tpu.dma_semaphore, #tpu.memory_space<semaphore_mem>>)
      %dma_wait3A = arith.constant 0 : i32
      %dma_wait3A_20 = tpu.memref_slice %arg4[%mul3A_6, %dma_wait3A] : memref<2560x128xi32, #tpu.memory_space<hbm>> -> memref<80x128xi32, #tpu.memory_space<hbm>>
      %dma_wait3A_21 = arith.constant 0 : i32
      %dma_wait3A_22 = tpu.memref_slice %arg4[%mul3A_6, %dma_wait3A_21] : memref<2560x128xi32, #tpu.memory_space<hbm>> -> memref<80x128xi32, #tpu.memory_space<hbm>>
      tpu.wait_dma2 semaphore(%run_scoped3A : memref<!tpu.dma_semaphore, #tpu.memory_space<semaphore_mem>>) src(%dma_wait3A_22 : memref<80x128xi32, #tpu.memory_space<hbm>>) dst(%arg8 : memref<80x128xi32, #tpu.memory_space<vmem>>)
      tpu.yield
    }) : () -> ()
    %barrier3A = arith.constant 0 : index
    tpu.barrier barrier_id(%barrier3A)
    %scan3A = arith.constant 0 : i32
    %scan3A_7 = arith.constant 0 : i32
    %scan3A_8 = arith.constant 80 : i32
    %scan3A_9 = arith.addi %scan3A_7, %scan3A_8 : i32
    %scan3A_10 = arith.constant 1 : i32
    scf.for %scan3A_17 = %scan3A_7 to %scan3A_9 step %scan3A_10  : i32 {
      %dma_start3A = arith.constant 0 : i32
      %dma_start3A_18 = tpu.memref_slice %arg7[%scan3A_17, %dma_start3A] : memref<80x128xi32, #tpu.memory_space<vmem>> -> memref<1x128xi32, #tpu.memory_space<vmem>>
      %dma_start3A_19 = tpu.memref_squeeze %dma_start3A_18 : memref<1x128xi32, #tpu.memory_space<vmem>> -> memref<128xi32, #tpu.memory_space<vmem>>
      %dma_start3A_20 = arith.constant 0 : i32
      %dma_start3A_21 = arith.constant 0 : i32
      %dma_start3A_22 = tpu.memref_slice %arg2[%dma_start3A_20, %dma_start3A_21] : memref<10240x128xf32, #tpu.memory_space<hbm>> -> memref<10240x128xf32, #tpu.memory_space<hbm>>
      tpu.enqueue_indirect_dma source(%dma_start3A_22 : memref<10240x128xf32, #tpu.memory_space<hbm>>) target(%arg9 : memref<128x128xf32, #tpu.memory_space<vmem>>) offsets(%dma_start3A_19 : memref<128xi32, #tpu.memory_space<vmem>>) semaphore(%arg11 : memref<!tpu.dma_semaphore, #tpu.memory_space<semaphore_mem>>)
      %dma_wait3A = arith.constant 0 : i32
      %dma_wait3A_23 = tpu.memref_slice %arg7[%scan3A_17, %dma_wait3A] : memref<80x128xi32, #tpu.memory_space<vmem>> -> memref<1x128xi32, #tpu.memory_space<vmem>>
      %dma_wait3A_24 = tpu.memref_squeeze %dma_wait3A_23 : memref<1x128xi32, #tpu.memory_space<vmem>> -> memref<128xi32, #tpu.memory_space<vmem>>
      %dma_wait3A_25 = arith.constant 0 : i32
      %dma_wait3A_26 = arith.constant 0 : i32
      %dma_wait3A_27 = tpu.memref_slice %arg2[%dma_wait3A_25, %dma_wait3A_26] : memref<10240x128xf32, #tpu.memory_space<hbm>> -> memref<10240x128xf32, #tpu.memory_space<hbm>>
      tpu.wait_indirect_dma semaphore(%arg11 : memref<!tpu.dma_semaphore, #tpu.memory_space<semaphore_mem>>) src(%dma_wait3A_27 : memref<10240x128xf32, #tpu.memory_space<hbm>>) dst(%arg9 : memref<128x128xf32, #tpu.memory_space<vmem>>)
      "tpu.region"() ({
        %run_scoped3A = tpu.sem_alloc : memref<!tpu.dma_semaphore, #tpu.memory_space<semaphore_mem>>
        %dma_start3A_28 = arith.constant 0 : i32
        %dma_start3A_29 = tpu.memref_slice %arg8[%scan3A_17, %dma_start3A_28] : memref<80x128xi32, #tpu.memory_space<vmem>> -> memref<1x128xi32, #tpu.memory_space<vmem>>
        %dma_start3A_30 = tpu.memref_squeeze %dma_start3A_29 : memref<1x128xi32, #tpu.memory_space<vmem>> -> memref<128xi32, #tpu.memory_space<vmem>>
        %dma_start3A_31 = arith.constant 0 : i32
        %dma_start3A_32 = arith.constant 0 : i32
        %dma_start3A_33 = tpu.memref_slice %arg10[%dma_start3A_31, %dma_start3A_32] : memref<10240x128xf32, #tpu.memory_space<vmem_shared>> -> memref<10240x128xf32, #tpu.memory_space<vmem_shared>>
        tpu.enqueue_indirect_dma source(%arg9 : memref<128x128xf32, #tpu.memory_space<vmem>>) target(%dma_start3A_33 : memref<10240x128xf32, #tpu.memory_space<vmem_shared>>) offsets(%dma_start3A_30 : memref<128xi32, #tpu.memory_space<vmem>>) semaphore(%run_scoped3A : memref<!tpu.dma_semaphore, #tpu.memory_space<semaphore_mem>>) {add = true}
        %dma_wait3A_34 = arith.constant 0 : i32
        %dma_wait3A_35 = tpu.memref_slice %arg8[%scan3A_17, %dma_wait3A_34] : memref<80x128xi32, #tpu.memory_space<vmem>> -> memref<1x128xi32, #tpu.memory_space<vmem>>
        %dma_wait3A_36 = tpu.memref_squeeze %dma_wait3A_35 : memref<1x128xi32, #tpu.memory_space<vmem>> -> memref<128xi32, #tpu.memory_space<vmem>>
        %dma_wait3A_37 = arith.constant 0 : i32
        %dma_wait3A_38 = arith.constant 0 : i32
        %dma_wait3A_39 = tpu.memref_slice %arg10[%dma_wait3A_37, %dma_wait3A_38] : memref<10240x128xf32, #tpu.memory_space<vmem_shared>> -> memref<10240x128xf32, #tpu.memory_space<vmem_shared>>
        tpu.wait_indirect_dma semaphore(%run_scoped3A : memref<!tpu.dma_semaphore, #tpu.memory_space<semaphore_mem>>) src(%arg9 : memref<128x128xf32, #tpu.memory_space<vmem>>) dst(%dma_wait3A_39 : memref<10240x128xf32, #tpu.memory_space<vmem_shared>>)
        tpu.yield
      }) : () -> ()
    }
    %scan3A_11 = arith.constant 80 : i32
    %barrier3A_12 = arith.constant 0 : index
    tpu.barrier barrier_id(%barrier3A_12)
    %mul3A_13 = arith.constant 640 : i32
    %mul3A_14 = arith.muli %arg1, %mul3A_13 : i32
    %mul3A_15 = arith.constant 640 : i32
    %mul3A_16 = arith.muli %arg1, %mul3A_15 : i32
    "tpu.region"() ({
      %run_scoped3A = tpu.sem_alloc : memref<!tpu.dma_semaphore, #tpu.memory_space<semaphore_mem>>
      %dma_start3A = arith.constant 0 : i32
      %dma_start3A_17 = tpu.memref_slice %arg6[%arg0, %mul3A_16, %dma_start3A] : memref<2x10240x128xf32, #tpu.memory_space<hbm>> -> memref<1x640x128xf32, #tpu.memory_space<hbm>>
      %dma_start3A_18 = tpu.memref_squeeze %dma_start3A_17 : memref<1x640x128xf32, #tpu.memory_space<hbm>> -> memref<640x128xf32, #tpu.memory_space<hbm>>
      %dma_start3A_19 = arith.constant 0 : i32
      %dma_start3A_20 = tpu.memref_slice %arg10[%mul3A_14, %dma_start3A_19] : memref<10240x128xf32, #tpu.memory_space<vmem_shared>> -> memref<640x128xf32, #tpu.memory_space<vmem_shared>>
      tpu.enqueue_dma source(%dma_start3A_20 : memref<640x128xf32, #tpu.memory_space<vmem_shared>>) target(%dma_start3A_18 : memref<640x128xf32, #tpu.memory_space<hbm>>) target_semaphore(%run_scoped3A : memref<!tpu.dma_semaphore, #tpu.memory_space<semaphore_mem>>)
      %dma_wait3A = arith.constant 0 : i32
      %dma_wait3A_21 = tpu.memref_slice %arg6[%arg0, %mul3A_16, %dma_wait3A] : memref<2x10240x128xf32, #tpu.memory_space<hbm>> -> memref<1x640x128xf32, #tpu.memory_space<hbm>>
      %dma_wait3A_22 = tpu.memref_squeeze %dma_wait3A_21 : memref<1x640x128xf32, #tpu.memory_space<hbm>> -> memref<640x128xf32, #tpu.memory_space<hbm>>
      %dma_wait3A_23 = arith.constant 0 : i32
      %dma_wait3A_24 = tpu.memref_slice %arg10[%mul3A_14, %dma_wait3A_23] : memref<10240x128xf32, #tpu.memory_space<vmem_shared>> -> memref<640x128xf32, #tpu.memory_space<vmem_shared>>
      tpu.wait_dma2 semaphore(%run_scoped3A : memref<!tpu.dma_semaphore, #tpu.memory_space<semaphore_mem>>) src(%dma_wait3A_24 : memref<640x128xf32, #tpu.memory_space<vmem_shared>>) dst(%dma_wait3A_22 : memref<640x128xf32, #tpu.memory_space<hbm>>)
      tpu.yield
    }) : () -> ()
    return
  }
}

#map = affine_map<(d0, d1) -> (0, 0)>
#map1 = affine_map<(d0, d1) -> (0, 0, 0)>
module attributes {stable_mosaic.version = 14 : i64} {
  func.func @run(%arg0: i32, %arg1: i32, %arg2: memref<10240x128xf32, #tpu.memory_space<hbm>>, %arg3: memref<2560x128xi32, #tpu.memory_space<hbm>>, %arg4: memref<2560x128xi32, #tpu.memory_space<hbm>>, %arg5: memref<640x128xf32, #tpu.memory_space<hbm>>, %arg6: memref<2x10240x128xf32, #tpu.memory_space<hbm>>, %arg7: memref<80x128xi32, #tpu.memory_space<vmem>>, %arg8: memref<80x128xi32, #tpu.memory_space<vmem>>, %arg9: memref<128x128xf32, #tpu.memory_space<vmem>>, %arg10: memref<10240x128xf32, #tpu.memory_space<vmem_shared>>, %arg11: memref<!tpu.dma_semaphore, #tpu.memory_space<semaphore_mem>>) attributes {dimension_semantics = [#tpu.dimension_semantics<core_parallel>, #tpu.dimension_semantics<subcore_parallel>], iteration_bounds = array<i64: 2, 16>, scalar_prefetch = 0 : i64, scratch_operands = 5 : i64, tpu.core_type = #tpu.core_type<sc_vector_subcore>, window_params = [{transform_indices = #map}, {transform_indices = #map}, {transform_indices = #map}, {transform_indices = #map}, {transform_indices = #map1}]} {
    %mul3A = arith.constant 2 : i32
    %mul3A_0 = arith.muli %arg1, %mul3A : i32
    %add3A = arith.addi %mul3A_0, %arg0 : i32
    %mul3A_1 = arith.constant 640 : i32
    %mul3A_2 = arith.muli %arg1, %mul3A_1 : i32
    "tpu.region"() ({
      %run_scoped3A = tpu.sem_alloc : memref<!tpu.dma_semaphore, #tpu.memory_space<semaphore_mem>>
      %dma_start3A = arith.constant 0 : i32
      %dma_start3A_17 = tpu.memref_slice %arg10[%mul3A_2, %dma_start3A] : memref<10240x128xf32, #tpu.memory_space<vmem_shared>> -> memref<640x128xf32, #tpu.memory_space<vmem_shared>>
      tpu.enqueue_dma source(%arg5 : memref<640x128xf32, #tpu.memory_space<hbm>>) target(%dma_start3A_17 : memref<640x128xf32, #tpu.memory_space<vmem_shared>>) target_semaphore(%run_scoped3A : memref<!tpu.dma_semaphore, #tpu.memory_space<semaphore_mem>>)
      %dma_wait3A = arith.constant 0 : i32
      %dma_wait3A_18 = tpu.memref_slice %arg10[%mul3A_2, %dma_wait3A] : memref<10240x128xf32, #tpu.memory_space<vmem_shared>> -> memref<640x128xf32, #tpu.memory_space<vmem_shared>>
      tpu.wait_dma2 semaphore(%run_scoped3A : memref<!tpu.dma_semaphore, #tpu.memory_space<semaphore_mem>>) src(%arg5 : memref<640x128xf32, #tpu.memory_space<hbm>>) dst(%dma_wait3A_18 : memref<640x128xf32, #tpu.memory_space<vmem_shared>>)
      tpu.yield
    }) : () -> ()
    %mul3A_3 = arith.constant 80 : i32
    %mul3A_4 = arith.muli %add3A, %mul3A_3 : i32
    "tpu.region"() ({
      %run_scoped3A = tpu.sem_alloc : memref<!tpu.dma_semaphore, #tpu.memory_space<semaphore_mem>>
      %dma_start3A = arith.constant 0 : i32
      %dma_start3A_17 = tpu.memref_slice %arg3[%mul3A_4, %dma_start3A] : memref<2560x128xi32, #tpu.memory_space<hbm>> -> memref<80x128xi32, #tpu.memory_space<hbm>>
      %dma_start3A_18 = arith.constant 0 : i32
      %dma_start3A_19 = tpu.memref_slice %arg3[%mul3A_4, %dma_start3A_18] : memref<2560x128xi32, #tpu.memory_space<hbm>> -> memref<80x128xi32, #tpu.memory_space<hbm>>
      tpu.enqueue_dma source(%dma_start3A_19 : memref<80x128xi32, #tpu.memory_space<hbm>>) target(%arg7 : memref<80x128xi32, #tpu.memory_space<vmem>>) target_semaphore(%run_scoped3A : memref<!tpu.dma_semaphore, #tpu.memory_space<semaphore_mem>>)
      %dma_wait3A = arith.constant 0 : i32
      %dma_wait3A_20 = tpu.memref_slice %arg3[%mul3A_4, %dma_wait3A] : memref<2560x128xi32, #tpu.memory_space<hbm>> -> memref<80x128xi32, #tpu.memory_space<hbm>>
      %dma_wait3A_21 = arith.constant 0 : i32
      %dma_wait3A_22 = tpu.memref_slice %arg3[%mul3A_4, %dma_wait3A_21] : memref<2560x128xi32, #tpu.memory_space<hbm>> -> memref<80x128xi32, #tpu.memory_space<hbm>>
      tpu.wait_dma2 semaphore(%run_scoped3A : memref<!tpu.dma_semaphore, #tpu.memory_space<semaphore_mem>>) src(%dma_wait3A_22 : memref<80x128xi32, #tpu.memory_space<hbm>>) dst(%arg7 : memref<80x128xi32, #tpu.memory_space<vmem>>)
      tpu.yield
    }) : () -> ()
    %mul3A_5 = arith.constant 80 : i32
    %mul3A_6 = arith.muli %add3A, %mul3A_5 : i32
    "tpu.region"() ({
      %run_scoped3A = tpu.sem_alloc : memref<!tpu.dma_semaphore, #tpu.memory_space<semaphore_mem>>
      %dma_start3A = arith.constant 0 : i32
      %dma_start3A_17 = tpu.memref_slice %arg4[%mul3A_6, %dma_start3A] : memref<2560x128xi32, #tpu.memory_space<hbm>> -> memref<80x128xi32, #tpu.memory_space<hbm>>
      %dma_start3A_18 = arith.constant 0 : i32
      %dma_start3A_19 = tpu.memref_slice %arg4[%mul3A_6, %dma_start3A_18] : memref<2560x128xi32, #tpu.memory_space<hbm>> -> memref<80x128xi32, #tpu.memory_space<hbm>>
      tpu.enqueue_dma source(%dma_start3A_19 : memref<80x128xi32, #tpu.memory_space<hbm>>) target(%arg8 : memref<80x128xi32, #tpu.memory_space<vmem>>) target_semaphore(%run_scoped3A : memref<!tpu.dma_semaphore, #tpu.memory_space<semaphore_mem>>)
      %dma_wait3A = arith.constant 0 : i32
      %dma_wait3A_20 = tpu.memref_slice %arg4[%mul3A_6, %dma_wait3A] : memref<2560x128xi32, #tpu.memory_space<hbm>> -> memref<80x128xi32, #tpu.memory_space<hbm>>
      %dma_wait3A_21 = arith.constant 0 : i32
      %dma_wait3A_22 = tpu.memref_slice %arg4[%mul3A_6, %dma_wait3A_21] : memref<2560x128xi32, #tpu.memory_space<hbm>> -> memref<80x128xi32, #tpu.memory_space<hbm>>
      tpu.wait_dma2 semaphore(%run_scoped3A : memref<!tpu.dma_semaphore, #tpu.memory_space<semaphore_mem>>) src(%dma_wait3A_22 : memref<80x128xi32, #tpu.memory_space<hbm>>) dst(%arg8 : memref<80x128xi32, #tpu.memory_space<vmem>>)
      tpu.yield
    }) : () -> ()
    %barrier3A = arith.constant 0 : index
    tpu.barrier barrier_id(%barrier3A)
    %scan3A = arith.constant 0 : i32
    %scan3A_7 = arith.constant 0 : i32
    %scan3A_8 = arith.constant 80 : i32
    %scan3A_9 = arith.addi %scan3A_7, %scan3A_8 : i32
    %scan3A_10 = arith.constant 1 : i32
    scf.for %scan3A_17 = %scan3A_7 to %scan3A_9 step %scan3A_10  : i32 {
      %dma_start3A = arith.constant 0 : i32
      %dma_start3A_18 = tpu.memref_slice %arg7[%scan3A_17, %dma_start3A] : memref<80x128xi32, #tpu.memory_space<vmem>> -> memref<1x128xi32, #tpu.memory_space<vmem>>
      %dma_start3A_19 = tpu.memref_squeeze %dma_start3A_18 : memref<1x128xi32, #tpu.memory_space<vmem>> -> memref<128xi32, #tpu.memory_space<vmem>>
      %dma_start3A_20 = arith.constant 0 : i32
      %dma_start3A_21 = arith.constant 0 : i32
      %dma_start3A_22 = tpu.memref_slice %arg2[%dma_start3A_20, %dma_start3A_21] : memref<10240x128xf32, #tpu.memory_space<hbm>> -> memref<10240x128xf32, #tpu.memory_space<hbm>>
      tpu.enqueue_indirect_dma source(%dma_start3A_22 : memref<10240x128xf32, #tpu.memory_space<hbm>>) target(%arg9 : memref<128x128xf32, #tpu.memory_space<vmem>>) offsets(%dma_start3A_19 : memref<128xi32, #tpu.memory_space<vmem>>) semaphore(%arg11 : memref<!tpu.dma_semaphore, #tpu.memory_space<semaphore_mem>>)
      %dma_wait3A = arith.constant 0 : i32
      %dma_wait3A_23 = tpu.memref_slice %arg7[%scan3A_17, %dma_wait3A] : memref<80x128xi32, #tpu.memory_space<vmem>> -> memref<1x128xi32, #tpu.memory_space<vmem>>
      %dma_wait3A_24 = tpu.memref_squeeze %dma_wait3A_23 : memref<1x128xi32, #tpu.memory_space<vmem>> -> memref<128xi32, #tpu.memory_space<vmem>>
      %dma_wait3A_25 = arith.constant 0 : i32
      %dma_wait3A_26 = arith.constant 0 : i32
      %dma_wait3A_27 = tpu.memref_slice %arg2[%dma_wait3A_25, %dma_wait3A_26] : memref<10240x128xf32, #tpu.memory_space<hbm>> -> memref<10240x128xf32, #tpu.memory_space<hbm>>
      tpu.wait_indirect_dma semaphore(%arg11 : memref<!tpu.dma_semaphore, #tpu.memory_space<semaphore_mem>>) src(%dma_wait3A_27 : memref<10240x128xf32, #tpu.memory_space<hbm>>) dst(%arg9 : memref<128x128xf32, #tpu.memory_space<vmem>>)
      "tpu.region"() ({
        %run_scoped3A = tpu.sem_alloc : memref<!tpu.dma_semaphore, #tpu.memory_space<semaphore_mem>>
        %dma_start3A_28 = arith.constant 0 : i32
        %dma_start3A_29 = tpu.memref_slice %arg8[%scan3A_17, %dma_start3A_28] : memref<80x128xi32, #tpu.memory_space<vmem>> -> memref<1x128xi32, #tpu.memory_space<vmem>>
        %dma_start3A_30 = tpu.memref_squeeze %dma_start3A_29 : memref<1x128xi32, #tpu.memory_space<vmem>> -> memref<128xi32, #tpu.memory_space<vmem>>
        %dma_start3A_31 = arith.constant 0 : i32
        %dma_start3A_32 = arith.constant 0 : i32
        %dma_start3A_33 = tpu.memref_slice %arg10[%dma_start3A_31, %dma_start3A_32] : memref<10240x128xf32, #tpu.memory_space<vmem_shared>> -> memref<10240x128xf32, #tpu.memory_space<vmem_shared>>
        tpu.enqueue_indirect_dma source(%arg9 : memref<128x128xf32, #tpu.memory_space<vmem>>) target(%dma_start3A_33 : memref<10240x128xf32, #tpu.memory_space<vmem_shared>>) offsets(%dma_start3A_30 : memref<128xi32, #tpu.memory_space<vmem>>) semaphore(%run_scoped3A : memref<!tpu.dma_semaphore, #tpu.memory_space<semaphore_mem>>) {add = true}
        %dma_wait3A_34 = arith.constant 0 : i32
        %dma_wait3A_35 = tpu.memref_slice %arg8[%scan3A_17, %dma_wait3A_34] : memref<80x128xi32, #tpu.memory_space<vmem>> -> memref<1x128xi32, #tpu.memory_space<vmem>>
        %dma_wait3A_36 = tpu.memref_squeeze %dma_wait3A_35 : memref<1x128xi32, #tpu.memory_space<vmem>> -> memref<128xi32, #tpu.memory_space<vmem>>
        %dma_wait3A_37 = arith.constant 0 : i32
        %dma_wait3A_38 = arith.constant 0 : i32
        %dma_wait3A_39 = tpu.memref_slice %arg10[%dma_wait3A_37, %dma_wait3A_38] : memref<10240x128xf32, #tpu.memory_space<vmem_shared>> -> memref<10240x128xf32, #tpu.memory_space<vmem_shared>>
        tpu.wait_indirect_dma semaphore(%run_scoped3A : memref<!tpu.dma_semaphore, #tpu.memory_space<semaphore_mem>>) src(%arg9 : memref<128x128xf32, #tpu.memory_space<vmem>>) dst(%dma_wait3A_39 : memref<10240x128xf32, #tpu.memory_space<vmem_shared>>)
        tpu.yield
      }) : () -> ()
    }
    %scan3A_11 = arith.constant 80 : i32
    %barrier3A_12 = arith.constant 0 : index
    tpu.barrier barrier_id(%barrier3A_12)
    %mul3A_13 = arith.constant 640 : i32
    %mul3A_14 = arith.muli %arg1, %mul3A_13 : i32
    %mul3A_15 = arith.constant 640 : i32
    %mul3A_16 = arith.muli %arg1, %mul3A_15 : i32
    "tpu.region"() ({
      %run_scoped3A = tpu.sem_alloc : memref<!tpu.dma_semaphore, #tpu.memory_space<semaphore_mem>>
      %dma_start3A = arith.constant 0 : i32
      %dma_start3A_17 = tpu.memref_slice %arg6[%arg0, %mul3A_16, %dma_start3A] : memref<2x10240x128xf32, #tpu.memory_space<hbm>> -> memref<1x640x128xf32, #tpu.memory_space<hbm>>
      %dma_start3A_18 = tpu.memref_squeeze %dma_start3A_17 : memref<1x640x128xf32, #tpu.memory_space<hbm>> -> memref<640x128xf32, #tpu.memory_space<hbm>>
      %dma_start3A_19 = arith.constant 0 : i32
      %dma_start3A_20 = tpu.memref_slice %arg10[%mul3A_14, %dma_start3A_19] : memref<10240x128xf32, #tpu.memory_space<vmem_shared>> -> memref<640x128xf32, #tpu.memory_space<vmem_shared>>
      tpu.enqueue_dma source(%dma_start3A_20 : memref<640x128xf32, #tpu.memory_space<vmem_shared>>) target(%dma_start3A_18 : memref<640x128xf32, #tpu.memory_space<hbm>>) target_semaphore(%run_scoped3A : memref<!tpu.dma_semaphore, #tpu.memory_space<semaphore_mem>>)
      %dma_wait3A = arith.constant 0 : i32
      %dma_wait3A_21 = tpu.memref_slice %arg6[%arg0, %mul3A_16, %dma_wait3A] : memref<2x10240x128xf32, #tpu.memory_space<hbm>> -> memref<1x640x128xf32, #tpu.memory_space<hbm>>
      %dma_wait3A_22 = tpu.memref_squeeze %dma_wait3A_21 : memref<1x640x128xf32, #tpu.memory_space<hbm>> -> memref<640x128xf32, #tpu.memory_space<hbm>>
      %dma_wait3A_23 = arith.constant 0 : i32
      %dma_wait3A_24 = tpu.memref_slice %arg10[%mul3A_14, %dma_wait3A_23] : memref<10240x128xf32, #tpu.memory_space<vmem_shared>> -> memref<640x128xf32, #tpu.memory_space<vmem_shared>>
      tpu.wait_dma2 semaphore(%run_scoped3A : memref<!tpu.dma_semaphore, #tpu.memory_space<semaphore_mem>>) src(%dma_wait3A_24 : memref<640x128xf32, #tpu.memory_space<vmem_shared>>) dst(%dma_wait3A_22 : memref<640x128xf32, #tpu.memory_space<hbm>>)
      tpu.yield
    }) : () -> ()
    return
  }
}

#map = affine_map<(d0, d1) -> (0, 0)>
#map1 = affine_map<(d0, d1) -> (0, 0, 0)>
module attributes {stable_mosaic.version = 14 : i64} {
  func.func @run(%arg0: i32, %arg1: i32, %arg2: memref<10240x128xf32, #tpu.memory_space<hbm>>, %arg3: memref<2560x128xi32, #tpu.memory_space<hbm>>, %arg4: memref<2560x128xi32, #tpu.memory_space<hbm>>, %arg5: memref<640x128xf32, #tpu.memory_space<hbm>>, %arg6: memref<2x10240x128xf32, #tpu.memory_space<hbm>>, %arg7: memref<80x128xi32, #tpu.memory_space<vmem>>, %arg8: memref<80x128xi32, #tpu.memory_space<vmem>>, %arg9: memref<128x128xf32, #tpu.memory_space<vmem>>, %arg10: memref<10240x128xf32, #tpu.memory_space<vmem_shared>>, %arg11: memref<!tpu.dma_semaphore, #tpu.memory_space<semaphore_mem>>) attributes {dimension_semantics = [#tpu.dimension_semantics<core_parallel>, #tpu.dimension_semantics<subcore_parallel>], iteration_bounds = array<i64: 2, 16>, scalar_prefetch = 0 : i64, scratch_operands = 5 : i64, tpu.core_type = #tpu.core_type<sc_vector_subcore>, window_params = [{transform_indices = #map}, {transform_indices = #map}, {transform_indices = #map}, {transform_indices = #map}, {transform_indices = #map1}]} {
    %mul3A = arith.constant 2 : i32
    %mul3A_0 = arith.muli %arg1, %mul3A : i32
    %add3A = arith.addi %mul3A_0, %arg0 : i32
    %mul3A_1 = arith.constant 640 : i32
    %mul3A_2 = arith.muli %arg1, %mul3A_1 : i32
    "tpu.region"() ({
      %run_scoped3A = tpu.sem_alloc : memref<!tpu.dma_semaphore, #tpu.memory_space<semaphore_mem>>
      %dma_start3A = arith.constant 0 : i32
      %dma_start3A_17 = tpu.memref_slice %arg10[%mul3A_2, %dma_start3A] : memref<10240x128xf32, #tpu.memory_space<vmem_shared>> -> memref<640x128xf32, #tpu.memory_space<vmem_shared>>
      tpu.enqueue_dma source(%arg5 : memref<640x128xf32, #tpu.memory_space<hbm>>) target(%dma_start3A_17 : memref<640x128xf32, #tpu.memory_space<vmem_shared>>) target_semaphore(%run_scoped3A : memref<!tpu.dma_semaphore, #tpu.memory_space<semaphore_mem>>)
      %dma_wait3A = arith.constant 0 : i32
      %dma_wait3A_18 = tpu.memref_slice %arg10[%mul3A_2, %dma_wait3A] : memref<10240x128xf32, #tpu.memory_space<vmem_shared>> -> memref<640x128xf32, #tpu.memory_space<vmem_shared>>
      tpu.wait_dma2 semaphore(%run_scoped3A : memref<!tpu.dma_semaphore, #tpu.memory_space<semaphore_mem>>) src(%arg5 : memref<640x128xf32, #tpu.memory_space<hbm>>) dst(%dma_wait3A_18 : memref<640x128xf32, #tpu.memory_space<vmem_shared>>)
      tpu.yield
    }) : () -> ()
    %mul3A_3 = arith.constant 80 : i32
    %mul3A_4 = arith.muli %add3A, %mul3A_3 : i32
    "tpu.region"() ({
      %run_scoped3A = tpu.sem_alloc : memref<!tpu.dma_semaphore, #tpu.memory_space<semaphore_mem>>
      %dma_start3A = arith.constant 0 : i32
      %dma_start3A_17 = tpu.memref_slice %arg3[%mul3A_4, %dma_start3A] : memref<2560x128xi32, #tpu.memory_space<hbm>> -> memref<80x128xi32, #tpu.memory_space<hbm>>
      %dma_start3A_18 = arith.constant 0 : i32
      %dma_start3A_19 = tpu.memref_slice %arg3[%mul3A_4, %dma_start3A_18] : memref<2560x128xi32, #tpu.memory_space<hbm>> -> memref<80x128xi32, #tpu.memory_space<hbm>>
      tpu.enqueue_dma source(%dma_start3A_19 : memref<80x128xi32, #tpu.memory_space<hbm>>) target(%arg7 : memref<80x128xi32, #tpu.memory_space<vmem>>) target_semaphore(%run_scoped3A : memref<!tpu.dma_semaphore, #tpu.memory_space<semaphore_mem>>)
      %dma_wait3A = arith.constant 0 : i32
      %dma_wait3A_20 = tpu.memref_slice %arg3[%mul3A_4, %dma_wait3A] : memref<2560x128xi32, #tpu.memory_space<hbm>> -> memref<80x128xi32, #tpu.memory_space<hbm>>
      %dma_wait3A_21 = arith.constant 0 : i32
      %dma_wait3A_22 = tpu.memref_slice %arg3[%mul3A_4, %dma_wait3A_21] : memref<2560x128xi32, #tpu.memory_space<hbm>> -> memref<80x128xi32, #tpu.memory_space<hbm>>
      tpu.wait_dma2 semaphore(%run_scoped3A : memref<!tpu.dma_semaphore, #tpu.memory_space<semaphore_mem>>) src(%dma_wait3A_22 : memref<80x128xi32, #tpu.memory_space<hbm>>) dst(%arg7 : memref<80x128xi32, #tpu.memory_space<vmem>>)
      tpu.yield
    }) : () -> ()
    %mul3A_5 = arith.constant 80 : i32
    %mul3A_6 = arith.muli %add3A, %mul3A_5 : i32
    "tpu.region"() ({
      %run_scoped3A = tpu.sem_alloc : memref<!tpu.dma_semaphore, #tpu.memory_space<semaphore_mem>>
      %dma_start3A = arith.constant 0 : i32
      %dma_start3A_17 = tpu.memref_slice %arg4[%mul3A_6, %dma_start3A] : memref<2560x128xi32, #tpu.memory_space<hbm>> -> memref<80x128xi32, #tpu.memory_space<hbm>>
      %dma_start3A_18 = arith.constant 0 : i32
      %dma_start3A_19 = tpu.memref_slice %arg4[%mul3A_6, %dma_start3A_18] : memref<2560x128xi32, #tpu.memory_space<hbm>> -> memref<80x128xi32, #tpu.memory_space<hbm>>
      tpu.enqueue_dma source(%dma_start3A_19 : memref<80x128xi32, #tpu.memory_space<hbm>>) target(%arg8 : memref<80x128xi32, #tpu.memory_space<vmem>>) target_semaphore(%run_scoped3A : memref<!tpu.dma_semaphore, #tpu.memory_space<semaphore_mem>>)
      %dma_wait3A = arith.constant 0 : i32
      %dma_wait3A_20 = tpu.memref_slice %arg4[%mul3A_6, %dma_wait3A] : memref<2560x128xi32, #tpu.memory_space<hbm>> -> memref<80x128xi32, #tpu.memory_space<hbm>>
      %dma_wait3A_21 = arith.constant 0 : i32
      %dma_wait3A_22 = tpu.memref_slice %arg4[%mul3A_6, %dma_wait3A_21] : memref<2560x128xi32, #tpu.memory_space<hbm>> -> memref<80x128xi32, #tpu.memory_space<hbm>>
      tpu.wait_dma2 semaphore(%run_scoped3A : memref<!tpu.dma_semaphore, #tpu.memory_space<semaphore_mem>>) src(%dma_wait3A_22 : memref<80x128xi32, #tpu.memory_space<hbm>>) dst(%arg8 : memref<80x128xi32, #tpu.memory_space<vmem>>)
      tpu.yield
    }) : () -> ()
    %barrier3A = arith.constant 0 : index
    tpu.barrier barrier_id(%barrier3A)
    %scan3A = arith.constant 0 : i32
    %scan3A_7 = arith.constant 0 : i32
    %scan3A_8 = arith.constant 80 : i32
    %scan3A_9 = arith.addi %scan3A_7, %scan3A_8 : i32
    %scan3A_10 = arith.constant 1 : i32
    scf.for %scan3A_17 = %scan3A_7 to %scan3A_9 step %scan3A_10  : i32 {
      %dma_start3A = arith.constant 0 : i32
      %dma_start3A_18 = tpu.memref_slice %arg7[%scan3A_17, %dma_start3A] : memref<80x128xi32, #tpu.memory_space<vmem>> -> memref<1x128xi32, #tpu.memory_space<vmem>>
      %dma_start3A_19 = tpu.memref_squeeze %dma_start3A_18 : memref<1x128xi32, #tpu.memory_space<vmem>> -> memref<128xi32, #tpu.memory_space<vmem>>
      %dma_start3A_20 = arith.constant 0 : i32
      %dma_start3A_21 = arith.constant 0 : i32
      %dma_start3A_22 = tpu.memref_slice %arg2[%dma_start3A_20, %dma_start3A_21] : memref<10240x128xf32, #tpu.memory_space<hbm>> -> memref<10240x128xf32, #tpu.memory_space<hbm>>
      tpu.enqueue_indirect_dma source(%dma_start3A_22 : memref<10240x128xf32, #tpu.memory_space<hbm>>) target(%arg9 : memref<128x128xf32, #tpu.memory_space<vmem>>) offsets(%dma_start3A_19 : memref<128xi32, #tpu.memory_space<vmem>>) semaphore(%arg11 : memref<!tpu.dma_semaphore, #tpu.memory_space<semaphore_mem>>)
      %dma_wait3A = arith.constant 0 : i32
      %dma_wait3A_23 = tpu.memref_slice %arg7[%scan3A_17, %dma_wait3A] : memref<80x128xi32, #tpu.memory_space<vmem>> -> memref<1x128xi32, #tpu.memory_space<vmem>>
      %dma_wait3A_24 = tpu.memref_squeeze %dma_wait3A_23 : memref<1x128xi32, #tpu.memory_space<vmem>> -> memref<128xi32, #tpu.memory_space<vmem>>
      %dma_wait3A_25 = arith.constant 0 : i32
      %dma_wait3A_26 = arith.constant 0 : i32
      %dma_wait3A_27 = tpu.memref_slice %arg2[%dma_wait3A_25, %dma_wait3A_26] : memref<10240x128xf32, #tpu.memory_space<hbm>> -> memref<10240x128xf32, #tpu.memory_space<hbm>>
      tpu.wait_indirect_dma semaphore(%arg11 : memref<!tpu.dma_semaphore, #tpu.memory_space<semaphore_mem>>) src(%dma_wait3A_27 : memref<10240x128xf32, #tpu.memory_space<hbm>>) dst(%arg9 : memref<128x128xf32, #tpu.memory_space<vmem>>)
      "tpu.region"() ({
        %run_scoped3A = tpu.sem_alloc : memref<!tpu.dma_semaphore, #tpu.memory_space<semaphore_mem>>
        %dma_start3A_28 = arith.constant 0 : i32
        %dma_start3A_29 = tpu.memref_slice %arg8[%scan3A_17, %dma_start3A_28] : memref<80x128xi32, #tpu.memory_space<vmem>> -> memref<1x128xi32, #tpu.memory_space<vmem>>
        %dma_start3A_30 = tpu.memref_squeeze %dma_start3A_29 : memref<1x128xi32, #tpu.memory_space<vmem>> -> memref<128xi32, #tpu.memory_space<vmem>>
        %dma_start3A_31 = arith.constant 0 : i32
        %dma_start3A_32 = arith.constant 0 : i32
        %dma_start3A_33 = tpu.memref_slice %arg10[%dma_start3A_31, %dma_start3A_32] : memref<10240x128xf32, #tpu.memory_space<vmem_shared>> -> memref<10240x128xf32, #tpu.memory_space<vmem_shared>>
        tpu.enqueue_indirect_dma source(%arg9 : memref<128x128xf32, #tpu.memory_space<vmem>>) target(%dma_start3A_33 : memref<10240x128xf32, #tpu.memory_space<vmem_shared>>) offsets(%dma_start3A_30 : memref<128xi32, #tpu.memory_space<vmem>>) semaphore(%run_scoped3A : memref<!tpu.dma_semaphore, #tpu.memory_space<semaphore_mem>>) {add = true}
        %dma_wait3A_34 = arith.constant 0 : i32
        %dma_wait3A_35 = tpu.memref_slice %arg8[%scan3A_17, %dma_wait3A_34] : memref<80x128xi32, #tpu.memory_space<vmem>> -> memref<1x128xi32, #tpu.memory_space<vmem>>
        %dma_wait3A_36 = tpu.memref_squeeze %dma_wait3A_35 : memref<1x128xi32, #tpu.memory_space<vmem>> -> memref<128xi32, #tpu.memory_space<vmem>>
        %dma_wait3A_37 = arith.constant 0 : i32
        %dma_wait3A_38 = arith.constant 0 : i32
        %dma_wait3A_39 = tpu.memref_slice %arg10[%dma_wait3A_37, %dma_wait3A_38] : memref<10240x128xf32, #tpu.memory_space<vmem_shared>> -> memref<10240x128xf32, #tpu.memory_space<vmem_shared>>
        tpu.wait_indirect_dma semaphore(%run_scoped3A : memref<!tpu.dma_semaphore, #tpu.memory_space<semaphore_mem>>) src(%arg9 : memref<128x128xf32, #tpu.memory_space<vmem>>) dst(%dma_wait3A_39 : memref<10240x128xf32, #tpu.memory_space<vmem_shared>>)
        tpu.yield
      }) : () -> ()
    }
    %scan3A_11 = arith.constant 80 : i32
    %barrier3A_12 = arith.constant 0 : index
    tpu.barrier barrier_id(%barrier3A_12)
    %mul3A_13 = arith.constant 640 : i32
    %mul3A_14 = arith.muli %arg1, %mul3A_13 : i32
    %mul3A_15 = arith.constant 640 : i32
    %mul3A_16 = arith.muli %arg1, %mul3A_15 : i32
    "tpu.region"() ({
      %run_scoped3A = tpu.sem_alloc : memref<!tpu.dma_semaphore, #tpu.memory_space<semaphore_mem>>
      %dma_start3A = arith.constant 0 : i32
      %dma_start3A_17 = tpu.memref_slice %arg6[%arg0, %mul3A_16, %dma_start3A] : memref<2x10240x128xf32, #tpu.memory_space<hbm>> -> memref<1x640x128xf32, #tpu.memory_space<hbm>>
      %dma_start3A_18 = tpu.memref_squeeze %dma_start3A_17 : memref<1x640x128xf32, #tpu.memory_space<hbm>> -> memref<640x128xf32, #tpu.memory_space<hbm>>
      %dma_start3A_19 = arith.constant 0 : i32
      %dma_start3A_20 = tpu.memref_slice %arg10[%mul3A_14, %dma_start3A_19] : memref<10240x128xf32, #tpu.memory_space<vmem_shared>> -> memref<640x128xf32, #tpu.memory_space<vmem_shared>>
      tpu.enqueue_dma source(%dma_start3A_20 : memref<640x128xf32, #tpu.memory_space<vmem_shared>>) target(%dma_start3A_18 : memref<640x128xf32, #tpu.memory_space<hbm>>) target_semaphore(%run_scoped3A : memref<!tpu.dma_semaphore, #tpu.memory_space<semaphore_mem>>)
      %dma_wait3A = arith.constant 0 : i32
      %dma_wait3A_21 = tpu.memref_slice %arg6[%arg0, %mul3A_16, %dma_wait3A] : memref<2x10240x128xf32, #tpu.memory_space<hbm>> -> memref<1x640x128xf32, #tpu.memory_space<hbm>>
      %dma_wait3A_22 = tpu.memref_squeeze %dma_wait3A_21 : memref<1x640x128xf32, #tpu.memory_space<hbm>> -> memref<640x128xf32, #tpu.memory_space<hbm>>
      %dma_wait3A_23 = arith.constant 0 : i32
      %dma_wait3A_24 = tpu.memref_slice %arg10[%mul3A_14, %dma_wait3A_23] : memref<10240x128xf32, #tpu.memory_space<vmem_shared>> -> memref<640x128xf32, #tpu.memory_space<vmem_shared>>
      tpu.wait_dma2 semaphore(%run_scoped3A : memref<!tpu.dma_semaphore, #tpu.memory_space<semaphore_mem>>) src(%dma_wait3A_24 : memref<640x128xf32, #tpu.memory_space<vmem_shared>>) dst(%dma_wait3A_22 : memref<640x128xf32, #tpu.memory_space<hbm>>)
      tpu.yield
    }) : () -> ()
    return
  }
}

module attributes {stable_mosaic.version = 14 : i64} {
  func.func @body(%arg0: i32, %arg1: memref<2x1024x128xf32, #tpu.memory_space<vmem>>, %arg2: memref<1024x128xf32, #tpu.memory_space<vmem>>, %arg3: memref<1024x1xf32, #tpu.memory_space<vmem>>, %arg4: memref<1x128xf32, #tpu.memory_space<vmem>>, %arg5: memref<128x128xf32, #tpu.memory_space<vmem>>, %arg6: memref<1024x128xf32, #tpu.memory_space<vmem>>, %arg7: memref<1024x128xf32, #tpu.memory_space<vmem>>) attributes {dimension_semantics = [#tpu.dimension_semantics<arbitrary>], iteration_bounds = array<i64: 10>, scalar_prefetch = 0 : i64, scratch_operands = 0 : i64, tpu.core_type = #tpu.core_type<tc>, window_params = [{transform_indices = @transform_0, window_bounds = array<i64: 2, 1024, 128>}, {transform_indices = @transform_1, window_bounds = array<i64: 1024, 128>}, {transform_indices = @transform_2, window_bounds = array<i64: 1024, 1>}, {pipeline_mode = #tpu.pipeline_mode<synchronous>, transform_indices = @transform_3, window_bounds = array<i64: 1, 128>}, {pipeline_mode = #tpu.pipeline_mode<synchronous>, transform_indices = @transform_4, window_bounds = array<i64: 128, 128>}, {transform_indices = @transform_5, window_bounds = array<i64: 1024, 128>}, {transform_indices = @transform_6, window_bounds = array<i64: 1024, 128>}]} {
    %get3A = arith.constant 0 : index
    %get3A_0 = arith.constant 0 : index
    %get3A_1 = vector.load %arg3[%get3A, %get3A_0] : memref<1024x1xf32, #tpu.memory_space<vmem>>, vector<1024x1xf32>
    %get3A_2 = arith.constant 0 : index
    %get3A_3 = arith.constant 0 : index
    %get3A_4 = arith.constant 0 : index
    %get3A_5 = vector.load %arg1[%get3A_2, %get3A_3, %get3A_4] : memref<2x1024x128xf32, #tpu.memory_space<vmem>>, vector<1x1024x128xf32>
    %get3A_6 = vector.shape_cast %get3A_5 : vector<1x1024x128xf32> to vector<1024x128xf32>
    %get3A_7 = arith.constant 1 : index
    %get3A_8 = arith.constant 0 : index
    %get3A_9 = arith.constant 0 : index
    %get3A_10 = vector.load %arg1[%get3A_7, %get3A_8, %get3A_9] : memref<2x1024x128xf32, #tpu.memory_space<vmem>>, vector<1x1024x128xf32>
    %get3A_11 = vector.shape_cast %get3A_10 : vector<1x1024x128xf32> to vector<1024x128xf32>
    %add3A = arith.addf %get3A_6, %get3A_11 : vector<1024x128xf32>
    %get3A_12 = arith.constant 0 : index
    %get3A_13 = arith.constant 0 : index
    %get3A_14 = vector.load %arg2[%get3A_12, %get3A_13] : memref<1024x128xf32, #tpu.memory_space<vmem>>, vector<1024x128xf32>
    %add3A_15 = arith.addf %add3A, %get3A_14 : vector<1024x128xf32>
    %mul3A = vector.broadcast %get3A_1 : vector<1024x1xf32> to vector<1024x128xf32>
    %mul3A_16 = arith.mulf %mul3A, %add3A_15 : vector<1024x128xf32>
    %get3A_17 = arith.constant 0 : index
    %get3A_18 = arith.constant 0 : index
    %get3A_19 = vector.load %arg4[%get3A_17, %get3A_18] : memref<1x128xf32, #tpu.memory_space<vmem>>, vector<1x128xf32>
    %add3A_20 = vector.broadcast %get3A_19 : vector<1x128xf32> to vector<1024x128xf32>
    %add3A_21 = arith.addf %mul3A_16, %add3A_20 : vector<1024x128xf32>
    %max3A = arith.constant 0.000000e+00 : f32
    %max3A_22 = vector.broadcast %max3A : f32 to vector<1024x128xf32>
    %max3A_23 = arith.maximumf %add3A_21, %max3A_22 : vector<1024x128xf32>
    %swap3A = arith.constant 0 : index
    %swap3A_24 = arith.constant 0 : index
    %swap3A_25 = vector.load %arg6[%swap3A, %swap3A_24] : memref<1024x128xf32, #tpu.memory_space<vmem>>, vector<1024x128xf32>
    tpu.vector_store %arg6[%swap3A, %swap3A_24], %max3A_23 {strides = array<i32>} : memref<1024x128xf32, #tpu.memory_space<vmem>>, vector<1024x128xf32>,
    %get3A_26 = arith.constant 0 : index
    %get3A_27 = arith.constant 0 : index
    %get3A_28 = vector.load %arg5[%get3A_26, %get3A_27] : memref<128x128xf32, #tpu.memory_space<vmem>>, vector<128x128xf32>
    %dot_general3A = arith.constant dense<0.000000e+00> : vector<1024x128xf32>
    %dot_general3A_29 = tpu.matmul %max3A_23, %get3A_28, %dot_general3A {dimension_numbers = #tpu.dot_dimension_numbers<[1], [0], [0], [1], [0, 0, 1, 1], [], []>, transpose_lhs_hint = false} : vector<1024x128xf32>, vector<128x128xf32>, vector<1024x128xf32> -> vector<1024x128xf32>
    %mul3A_30 = vector.broadcast %get3A_1 : vector<1024x1xf32> to vector<1024x128xf32>
    %mul3A_31 = arith.mulf %mul3A_30, %dot_general3A_29 : vector<1024x128xf32>
    %swap3A_32 = arith.constant 0 : index
    %swap3A_33 = arith.constant 0 : index
    %swap3A_34 = vector.load %arg7[%swap3A_32, %swap3A_33] : memref<1024x128xf32, #tpu.memory_space<vmem>>, vector<1024x128xf32>
    tpu.vector_store %arg7[%swap3A_32, %swap3A_33], %mul3A_31 {strides = array<i32>} : memref<1024x128xf32, #tpu.memory_space<vmem>>, vector<1024x128xf32>,
    return
  }
  func.func @transform_0(%arg0: i32) -> (i32, i32, i32) {
    %c0_i32 = arith.constant 0 : i32
    %c0_i32_0 = arith.constant 0 : i32
    %c0_i32_1 = arith.constant 0 : i32
    return %c0_i32, %arg0, %c0_i32_0 : i32, i32, i32
  }
  func.func @transform_1(%arg0: i32) -> (i32, i32) {
    %c0_i32 = arith.constant 0 : i32
    %c0_i32_0 = arith.constant 0 : i32
    return %arg0, %c0_i32 : i32, i32
  }
  func.func @transform_2(%arg0: i32) -> (i32, i32) {
    %c0_i32 = arith.constant 0 : i32
    %c0_i32_0 = arith.constant 0 : i32
    return %arg0, %c0_i32 : i32, i32
  }
  func.func @transform_3(%arg0: i32) -> (i32, i32) {
    %c0_i32 = arith.constant 0 : i32
    %c0_i32_0 = arith.constant 0 : i32
    %c0_i32_1 = arith.constant 0 : i32
    return %c0_i32, %c0_i32_0 : i32, i32
  }
  func.func @transform_4(%arg0: i32) -> (i32, i32) {
    %c0_i32 = arith.constant 0 : i32
    %c0_i32_0 = arith.constant 0 : i32
    %c0_i32_1 = arith.constant 0 : i32
    return %c0_i32, %c0_i32_0 : i32, i32
  }
  func.func @transform_5(%arg0: i32) -> (i32, i32) {
    %c0_i32 = arith.constant 0 : i32
    %c0_i32_0 = arith.constant 0 : i32
    return %arg0, %c0_i32 : i32, i32
  }
  func.func @transform_6(%arg0: i32) -> (i32, i32) {
    %c0_i32 = arith.constant 0 : i32
    %c0_i32_0 = arith.constant 0 : i32
    return %arg0, %c0_i32 : i32, i32
  }
}

module attributes {stable_mosaic.version = 14 : i64} {
  func.func @body(%arg0: i32, %arg1: memref<2x1024x128xf32, #tpu.memory_space<vmem>>, %arg2: memref<1024x128xf32, #tpu.memory_space<vmem>>, %arg3: memref<1024x1xf32, #tpu.memory_space<vmem>>, %arg4: memref<1x128xf32, #tpu.memory_space<vmem>>, %arg5: memref<1024x128xf32, #tpu.memory_space<vmem>>, %arg6: memref<1024x128xf32, #tpu.memory_space<vmem>>, %arg7: memref<1024x128xf32, #tpu.memory_space<vmem>>, %arg8: memref<128x128xf32, #tpu.memory_space<vmem>>, %arg9: memref<1x128xf32, #tpu.memory_space<vmem>>, %arg10: memref<1024x128xf32, #tpu.memory_space<vmem>>) attributes {dimension_semantics = [#tpu.dimension_semantics<arbitrary>], iteration_bounds = array<i64: 10>, scalar_prefetch = 0 : i64, scratch_operands = 0 : i64, tpu.core_type = #tpu.core_type<tc>, window_params = [{transform_indices = @transform_0, window_bounds = array<i64: 2, 1024, 128>}, {transform_indices = @transform_1, window_bounds = array<i64: 1024, 128>}, {transform_indices = @transform_2, window_bounds = array<i64: 1024, 1>}, {pipeline_mode = #tpu.pipeline_mode<synchronous>, transform_indices = @transform_3, window_bounds = array<i64: 1, 128>}, {transform_indices = @transform_4, window_bounds = array<i64: 1024, 128>}, {transform_indices = @transform_5, window_bounds = array<i64: 1024, 128>}, {transform_indices = @transform_6, window_bounds = array<i64: 1024, 128>}, {pipeline_mode = #tpu.pipeline_mode<synchronous>, transform_indices = @transform_7, window_bounds = array<i64: 128, 128>}, {pipeline_mode = #tpu.pipeline_mode<synchronous>, transform_indices = @transform_8, window_bounds = array<i64: 1, 128>}, {transform_indices = @transform_9, window_bounds = array<i64: 1024, 128>}]} {
    %get3A = arith.constant 0 : index
    %get3A_0 = arith.constant 0 : index
    %get3A_1 = vector.load %arg3[%get3A, %get3A_0] : memref<1024x1xf32, #tpu.memory_space<vmem>>, vector<1024x1xf32>
    %get3A_2 = arith.constant 0 : index
    %get3A_3 = arith.constant 0 : index
    %get3A_4 = arith.constant 0 : index
    %get3A_5 = vector.load %arg1[%get3A_2, %get3A_3, %get3A_4] : memref<2x1024x128xf32, #tpu.memory_space<vmem>>, vector<1x1024x128xf32>
    %get3A_6 = vector.shape_cast %get3A_5 : vector<1x1024x128xf32> to vector<1024x128xf32>
    %get3A_7 = arith.constant 1 : index
    %get3A_8 = arith.constant 0 : index
    %get3A_9 = arith.constant 0 : index
    %get3A_10 = vector.load %arg1[%get3A_7, %get3A_8, %get3A_9] : memref<2x1024x128xf32, #tpu.memory_space<vmem>>, vector<1x1024x128xf32>
    %get3A_11 = vector.shape_cast %get3A_10 : vector<1x1024x128xf32> to vector<1024x128xf32>
    %add3A = arith.addf %get3A_6, %get3A_11 : vector<1024x128xf32>
    %get3A_12 = arith.constant 0 : index
    %get3A_13 = arith.constant 0 : index
    %get3A_14 = vector.load %arg2[%get3A_12, %get3A_13] : memref<1024x128xf32, #tpu.memory_space<vmem>>, vector<1024x128xf32>
    %add3A_15 = arith.addf %add3A, %get3A_14 : vector<1024x128xf32>
    %mul3A = vector.broadcast %get3A_1 : vector<1024x1xf32> to vector<1024x128xf32>
    %mul3A_16 = arith.mulf %mul3A, %add3A_15 : vector<1024x128xf32>
    %get3A_17 = arith.constant 0 : index
    %get3A_18 = arith.constant 0 : index
    %get3A_19 = vector.load %arg4[%get3A_17, %get3A_18] : memref<1x128xf32, #tpu.memory_space<vmem>>, vector<1x128xf32>
    %add3A_20 = vector.broadcast %get3A_19 : vector<1x128xf32> to vector<1024x128xf32>
    %add3A_21 = arith.addf %mul3A_16, %add3A_20 : vector<1024x128xf32>
    %max3A = arith.constant 0.000000e+00 : f32
    %max3A_22 = vector.broadcast %max3A : f32 to vector<1024x128xf32>
    %max3A_23 = arith.maximumf %add3A_21, %max3A_22 : vector<1024x128xf32>
    %get3A_24 = arith.constant 0 : index
    %get3A_25 = arith.constant 0 : index
    %get3A_26 = vector.load %arg5[%get3A_24, %get3A_25] : memref<1024x128xf32, #tpu.memory_space<vmem>>, vector<1024x128xf32>
    %get3A_27 = arith.constant 0 : index
    %get3A_28 = arith.constant 0 : index
    %get3A_29 = vector.load %arg6[%get3A_27, %get3A_28] : memref<1024x128xf32, #tpu.memory_space<vmem>>, vector<1024x128xf32>
    %max3A_30 = arith.maximumf %get3A_26, %get3A_29 : vector<1024x128xf32>
    %get3A_31 = arith.constant 0 : index
    %get3A_32 = arith.constant 0 : index
    %get3A_33 = vector.load %arg7[%get3A_31, %get3A_32] : memref<1024x128xf32, #tpu.memory_space<vmem>>, vector<1024x128xf32>
    %max3A_34 = arith.maximumf %get3A_33, %max3A_23 : vector<1024x128xf32>
    %max3A_35 = arith.maximumf %max3A_30, %max3A_34 : vector<1024x128xf32>
    %get3A_36 = arith.constant 0 : index
    %get3A_37 = arith.constant 0 : index
    %get3A_38 = vector.load %arg8[%get3A_36, %get3A_37] : memref<128x128xf32, #tpu.memory_space<vmem>>, vector<128x128xf32>
    %dot_general3A = arith.constant dense<0.000000e+00> : vector<1024x128xf32>
    %dot_general3A_39 = tpu.matmul %max3A_35, %get3A_38, %dot_general3A {dimension_numbers = #tpu.dot_dimension_numbers<[1], [0], [0], [1], [0, 0, 1, 1], [], []>, transpose_lhs_hint = false} : vector<1024x128xf32>, vector<128x128xf32>, vector<1024x128xf32> -> vector<1024x128xf32>
    %get3A_40 = arith.constant 0 : index
    %get3A_41 = arith.constant 0 : index
    %get3A_42 = vector.load %arg9[%get3A_40, %get3A_41] : memref<1x128xf32, #tpu.memory_space<vmem>>, vector<1x128xf32>
    %add3A_43 = vector.broadcast %get3A_42 : vector<1x128xf32> to vector<1024x128xf32>
    %add3A_44 = arith.addf %dot_general3A_39, %add3A_43 : vector<1024x128xf32>
    %swap3A = arith.constant 0 : index
    %swap3A_45 = arith.constant 0 : index
    %swap3A_46 = vector.load %arg10[%swap3A, %swap3A_45] : memref<1024x128xf32, #tpu.memory_space<vmem>>, vector<1024x128xf32>
    tpu.vector_store %arg10[%swap3A, %swap3A_45], %add3A_44 {strides = array<i32>} : memref<1024x128xf32, #tpu.memory_space<vmem>>, vector<1024x128xf32>,
    return
  }
  func.func @transform_0(%arg0: i32) -> (i32, i32, i32) {
    %c0_i32 = arith.constant 0 : i32
    %c0_i32_0 = arith.constant 0 : i32
    %c0_i32_1 = arith.constant 0 : i32
    return %c0_i32, %arg0, %c0_i32_0 : i32, i32, i32
  }
  func.func @transform_1(%arg0: i32) -> (i32, i32) {
    %c0_i32 = arith.constant 0 : i32
    %c0_i32_0 = arith.constant 0 : i32
    return %arg0, %c0_i32 : i32, i32
  }
  func.func @transform_2(%arg0: i32) -> (i32, i32) {
    %c0_i32 = arith.constant 0 : i32
    %c0_i32_0 = arith.constant 0 : i32
    return %arg0, %c0_i32 : i32, i32
  }
  func.func @transform_3(%arg0: i32) -> (i32, i32) {
    %c0_i32 = arith.constant 0 : i32
    %c0_i32_0 = arith.constant 0 : i32
    %c0_i32_1 = arith.constant 0 : i32
    return %c0_i32, %c0_i32_0 : i32, i32
  }
  func.func @transform_4(%arg0: i32) -> (i32, i32) {
    %c0_i32 = arith.constant 0 : i32
    %c0_i32_0 = arith.constant 0 : i32
    return %arg0, %c0_i32 : i32, i32
  }
  func.func @transform_5(%arg0: i32) -> (i32, i32) {
    %c0_i32 = arith.constant 0 : i32
    %c0_i32_0 = arith.constant 0 : i32
    return %arg0, %c0_i32 : i32, i32
  }
  func.func @transform_6(%arg0: i32) -> (i32, i32) {
    %c0_i32 = arith.constant 0 : i32
    %c0_i32_0 = arith.constant 0 : i32
    return %arg0, %c0_i32 : i32, i32
  }
  func.func @transform_7(%arg0: i32) -> (i32, i32) {
    %c0_i32 = arith.constant 0 : i32
    %c0_i32_0 = arith.constant 0 : i32
    %c0_i32_1 = arith.constant 0 : i32
    return %c0_i32, %c0_i32_0 : i32, i32
  }
  func.func @transform_8(%arg0: i32) -> (i32, i32) {
    %c0_i32 = arith.constant 0 : i32
    %c0_i32_0 = arith.constant 0 : i32
    %c0_i32_1 = arith.constant 0 : i32
    return %c0_i32, %c0_i32_0 : i32, i32
  }
  func.func @transform_9(%arg0: i32) -> (i32, i32) {
    %c0_i32 = arith.constant 0 : i32
    %c0_i32_0 = arith.constant 0 : i32
    return %arg0, %c0_i32 : i32, i32
  }
}

module attributes {stable_mosaic.version = 14 : i64} {
  func.func @body(%arg0: i32, %arg1: memref<2x16x1024xf32, #tpu.memory_space<vmem>>, %arg2: memref<1024x128xf32, #tpu.memory_space<vmem>>, %arg3: memref<128x128xf32, #tpu.memory_space<vmem>>, %arg4: memref<1024x1xf32, #tpu.memory_space<vmem>>, %arg5: memref<1024x128xf32, #tpu.memory_space<vmem>>) attributes {dimension_semantics = [#tpu.dimension_semantics<arbitrary>], iteration_bounds = array<i64: 10>, scalar_prefetch = 0 : i64, scratch_operands = 0 : i64, tpu.core_type = #tpu.core_type<tc>, window_params = [{transform_indices = @transform_0, window_bounds = array<i64: 2, 16, 1024>}, {transform_indices = @transform_1, window_bounds = array<i64: 1024, 128>}, {pipeline_mode = #tpu.pipeline_mode<synchronous>, transform_indices = @transform_2, window_bounds = array<i64: 128, 128>}, {transform_indices = @transform_3, window_bounds = array<i64: 1024, 1>}, {transform_indices = @transform_4, window_bounds = array<i64: 1024, 128>}]} {
    %get3A = arith.constant 0 : index
    %get3A_0 = arith.constant 0 : index
    %get3A_1 = arith.constant 0 : index
    %get3A_2 = vector.load %arg1[%get3A, %get3A_0, %get3A_1] : memref<2x16x1024xf32, #tpu.memory_space<vmem>>, vector<2x16x1024xf32>
    %reduce_sum3A = arith.constant dense<0.000000e+00> : vector<1024xf32>
    %reduce_sum3A_3 = vector.multi_reduction <add>, %get3A_2, %reduce_sum3A [0, 1] : vector<2x16x1024xf32> to vector<1024xf32>
    %broadcast_in_dim3A = vector.shape_cast %reduce_sum3A_3 : vector<1024xf32> to vector<1024x1xf32>
    %add3A = arith.constant 1.000000e+00 : f32
    %add3A_4 = vector.broadcast %add3A : f32 to vector<1024x1xf32>
    %add3A_5 = arith.addf %broadcast_in_dim3A, %add3A_4 : vector<1024x1xf32>
    %rsqrt3A = math.rsqrt %add3A_5 : vector<1024x1xf32>
    %swap3A = arith.constant 0 : index
    %swap3A_6 = arith.constant 0 : index
    %swap3A_7 = vector.load %arg4[%swap3A, %swap3A_6] : memref<1024x1xf32, #tpu.memory_space<vmem>>, vector<1024x1xf32>
    tpu.vector_store %arg4[%swap3A, %swap3A_6], %rsqrt3A {strides = array<i32>} : memref<1024x1xf32, #tpu.memory_space<vmem>>, vector<1024x1xf32>,
    %get3A_8 = arith.constant 0 : index
    %get3A_9 = arith.constant 0 : index
    %get3A_10 = vector.load %arg2[%get3A_8, %get3A_9] : memref<1024x128xf32, #tpu.memory_space<vmem>>, vector<1024x128xf32>
    %get3A_11 = arith.constant 0 : index
    %get3A_12 = arith.constant 0 : index
    %get3A_13 = vector.load %arg3[%get3A_11, %get3A_12] : memref<128x128xf32, #tpu.memory_space<vmem>>, vector<128x128xf32>
    %dot_general3A = arith.constant dense<0.000000e+00> : vector<1024x128xf32>
    %dot_general3A_14 = tpu.matmul %get3A_10, %get3A_13, %dot_general3A {dimension_numbers = #tpu.dot_dimension_numbers<[1], [0], [0], [1], [0, 0, 1, 1], [], []>, transpose_lhs_hint = false} : vector<1024x128xf32>, vector<128x128xf32>, vector<1024x128xf32> -> vector<1024x128xf32>
    %mul3A = vector.broadcast %rsqrt3A : vector<1024x1xf32> to vector<1024x128xf32>
    %mul3A_15 = arith.mulf %mul3A, %dot_general3A_14 : vector<1024x128xf32>
    %swap3A_16 = arith.constant 0 : index
    %swap3A_17 = arith.constant 0 : index
    %swap3A_18 = vector.load %arg5[%swap3A_16, %swap3A_17] : memref<1024x128xf32, #tpu.memory_space<vmem>>, vector<1024x128xf32>
    tpu.vector_store %arg5[%swap3A_16, %swap3A_17], %mul3A_15 {strides = array<i32>} : memref<1024x128xf32, #tpu.memory_space<vmem>>, vector<1024x128xf32>,
    return
  }
  func.func @transform_0(%arg0: i32) -> (i32, i32, i32) {
    %c0_i32 = arith.constant 0 : i32
    %c0_i32_0 = arith.constant 0 : i32
    %c0_i32_1 = arith.constant 0 : i32
    return %c0_i32, %c0_i32_0, %arg0 : i32, i32, i32
  }
  func.func @transform_1(%arg0: i32) -> (i32, i32) {
    %c0_i32 = arith.constant 0 : i32
    %c0_i32_0 = arith.constant 0 : i32
    return %arg0, %c0_i32 : i32, i32
  }
  func.func @transform_2(%arg0: i32) -> (i32, i32) {
    %c0_i32 = arith.constant 0 : i32
    %c0_i32_0 = arith.constant 0 : i32
    %c0_i32_1 = arith.constant 0 : i32
    return %c0_i32, %c0_i32_0 : i32, i32
  }
  func.func @transform_3(%arg0: i32) -> (i32, i32) {
    %c0_i32 = arith.constant 0 : i32
    %c0_i32_0 = arith.constant 0 : i32
    return %arg0, %c0_i32 : i32, i32
  }
  func.func @transform_4(%arg0: i32) -> (i32, i32) {
    %c0_i32 = arith.constant 0 : i32
    %c0_i32_0 = arith.constant 0 : i32
    return %arg0, %c0_i32 : i32, i32
  }
}

</mosaic_0001>

<sc_bundles>
// kernel: kernel.12.cloned.1.call-start
scs
__scs_entry_jumppad:
0x0: {  	(pc) =	sbr.rel $0x88, $3  }
0x1: {  	(tag) =	ssettag $0x0;
	lr =	simm.s32 $0x1  }
0x2: {  	[smem:$0x3F95] =	sst lr;
	_ =	strace $0xD0000000  }
0x3: {  	_ = 	snop  }
0x4: {  	_ = 	snop  }
0x5: {  	_ = 	snop  }
0x6: {  	_ = 	snop  }
0x7: {  	_ = 	snop  }
__scs_overlays_trampoline_lowered:
0x8: {  	[smem:$0x3FA4] =	sst s0  }
0x9: {  	[smem:$0x3FA5] =	sst s1  }
0xa: {  	[smem:$0x3FA6] =	sst s2  }
0xb: {  	[smem:$0x3FA7] =	sst s3  }
0xc: {  	[smem:$0x3FA8] =	sst s4  }
0xd: {  	[smem:$0x3FA9] =	sst s5  }
0xe: {  	[smem:$0x3FAA] =	sst s6  }
0xf: {  	[smem:$0x3FAB] =	sst s7  }
0x10: {  	[smem:$0x3FAC] =	sst s8  }
0x11: {  	[smem:$0x3FAD] =	sst s9;
	s0 =	simm.s32 @!p0 $0x0  }
0x12: {  	s1 =	sld [smem:$0x3F93];
	s0 =	simm.s32 @p0 $0x1  }
0x13: {  	[smem:$0x3FAE] =	sst s0;
	s0 =	simm.s32 @!p1 $0x0  }
0x14: {  	s2 =	sld [smem:$0x3F92];
	s0 =	simm.s32 @p1 $0x1  }
0x15: {  	[smem:$0x3FAF] =	sst s0;
	s0 =	simm.s32 @!p2 $0x0  }
0x16: {  	s3 =	sld [smem:$0x3FDB];
	s0 =	simm.s32 @p2 $0x1  }
0x17: {  	s4 =	simm.s32 $0x1BF5;
	[smem:$0x3FB1] =	sst s0  }
0x18: {  	s0 =	sld [smem:$0x3F94];
	_ =	swait.ge [sflag:s4], $0x0  }
0x19: {  	s7 =	sld [smem:$0x3F95]  }
0x1a: {  	s8 =	sadd.s32 $0xFFFFE003, lr  }
0x1b: {  	s9 =	sadd.s32 $0xFFFFFEF7, lr;
	s5 =	simm.s32 $0xFFFFFFFF;
	p2 =	slt.u32 s8, $0xFFFFF086  }
0x1c: {  	p1 =	slt.u32 s9, $0xF7A;
	s5 =	simm.s32 @!p2 $0x0  }
0x1d: {  	s5 =	simm.s32 @p1 $0x1;
	p0 =	seq.s32 s7, s2  }
0x1e: {  	s7 =	smul.u32 @!p0 $0xF7A, s2;
	p2 =	seq.s32 @!p0 s5, $0x0  }
0x1f: {  	s9 =	smul.u32 $0xF7A, s1;
	s8 =	simm.s32 @!p0 $0x1BF5;
	p2 =	por !p2, p0  }
0x20: {  	[sflag:s8] =	ssyncset.s32 @!p0 $0xFFFFF086;
	s6 =	sadd.s32 @!p0 s3, s7;
	s7 =	simm.s32 @!p0 $0x108  }
0x21: {  	s3 =	sadd.s32 s3, s9;
	s6 =	sadd.s32 @!p0 $0x88, s6;
	s7 =	simm.s32 @p2 $0x1082  }
0x22: {  	[simem:s7], [sflag:s8] =	dma.local @!p0 [hbm:s6], $0xF7A  }
0x23: {  	s9 =	sor.u32 $0xD0000000, s2;
	s6 =	simm.s32 $0x108;
	_ =	swait.ge @!p0 [sflag:s8], $0x0  }
0x24: {  	s3 =	sadd.s32 $0x88, s3;
	s6 =	simm.s32 @!p1 $0x1082;
	[sflag:s4] =	ssyncset.s32 $0xFFFFF086  }
0x25: {  	[simem:s6], [sflag:s4] =	dma.local [hbm:s3], $0xF7A  }
0x26: {  	[smem:$0x3F95] =	sst s1;
	(tag) =	ssettag s2;
	_ =	strace s9  }
0x27: {  	s1 =	sld [smem:$0x3FA5]  }
0x28: {  	s2 =	sld [smem:$0x3FA6]  }
0x29: {  	s4 =	sld [smem:$0x3FA8]  }
0x2a: {  	p0 =	seq.s32 s5, $0x0;
	s5 =	sld [smem:$0x3FA9]  }
0x2b: {  	s6 =	sld [smem:$0x3FAA]  }
0x2c: {  	s7 =	sld [smem:$0x3FAB]  }
0x2d: {  	s3 =	simm.s32 $0x108;
	s8 =	sld [smem:$0x3FAC]  }
0x2e: {  	s3 =	simm.s32 @!p0 $0x1082;
	s9 =	sld [smem:$0x3FAD]  }
0x2f: {  	lr =	sadd.s32 s0, s3;
	s0 =	sld [smem:$0x3FA4]  }
0x30: {  	s3 =	sld [smem:$0x3FA7]  }
0x31: {  	[smem:$0x3FB0] =	sst s10  }
0x32: {  	s10 =	sld [smem:$0x3FAE];
	_ =	sdelay $0x3  }
0x33: {  	p0 =	seq.s32 s10, $0x1;
	s10 =	sld [smem:$0x3FB0];
	_ =	sdelay $0x3  }
0x34: {  	[smem:$0x3FB0] =	sst s10  }
0x35: {  	s10 =	sld [smem:$0x3FAF];
	_ =	sdelay $0x3  }
0x36: {  	p1 =	seq.s32 s10, $0x1;
	s10 =	sld [smem:$0x3FB0];
	_ =	sdelay $0x3  }
0x37: {  	[smem:$0x3FB0] =	sst s10  }
0x38: {  	s10 =	sld [smem:$0x3FB1]  }
0x39: {  	_ = 	snop;
	(pc) =	sbr.ind lr, $3  }
0x3a: {  	_ = 	snop  }
0x3b: {  	_ = 	snop  }
0x3c: {  	p2 =	seq.s32 s10, $0x1;
	s10 =	sld [smem:$0x3FB0]  }
0x3d: {  	_ =	shalt  }
0x3e: {  	_ =	shalt  }
0x3f: {  	_ =	shalt  }
0x40: {  	_ =	shalt  }
0x41: {  	_ =	shalt  }
0x42: {  	_ =	shalt  }
0x43: {  	_ =	shalt  }
0x44: {  	_ =	shalt  }
0x45: {  	_ =	shalt  }
0x46: {  	_ =	shalt  }
0x47: {  	_ =	shalt  }
0x48: {  	_ =	shalt  }
0x49: {  	_ =	shalt  }
0x4a: {  	_ =	shalt  }
0x4b: {  	_ =	shalt  }
0x4c: {  	_ =	shalt  }
0x4d: {  	_ =	shalt  }
0x4e: {  	_ =	shalt  }
0x4f: {  	_ =	shalt  }
0x50: {  	_ =	shalt  }
0x51: {  	_ =	shalt  }
0x52: {  	_ =	shalt  }
0x53: {  	_ =	shalt  }
0x54: {  	_ =	shalt  }
0x55: {  	_ =	shalt  }
0x56: {  	_ =	shalt  }
0x57: {  	_ =	shalt  }
0x58: {  	_ =	shalt  }
0x59: {  	_ =	shalt  }
0x5a: {  	_ =	shalt  }
0x5b: {  	_ =	shalt  }
0x5c: {  	_ =	shalt  }
0x5d: {  	_ =	shalt  }
0x5e: {  	_ =	shalt  }
0x5f: {  	_ =	shalt  }
0x60: {  	_ =	shalt  }
0x61: {  	_ =	shalt  }
0x62: {  	_ =	shalt  }
0x63: {  	_ =	shalt  }
0x64: {  	_ =	shalt  }
0x65: {  	_ =	shalt  }
0x66: {  	_ =	shalt  }
0x67: {  	_ =	shalt  }
0x68: {  	_ =	shalt  }
0x69: {  	_ =	shalt  }
0x6a: {  	_ =	shalt  }
0x6b: {  	_ =	shalt  }
0x6c: {  	_ =	shalt  }
0x6d: {  	_ =	shalt  }
0x6e: {  	_ =	shalt  }
0x6f: {  	_ =	shalt  }
0x70: {  	_ =	shalt  }
0x71: {  	_ =	shalt  }
0x72: {  	_ =	shalt  }
0x73: {  	_ =	shalt  }
0x74: {  	_ =	shalt  }
0x75: {  	_ =	shalt  }
0x76: {  	_ =	shalt  }
0x77: {  	_ =	shalt  }
0x78: {  	_ =	shalt  }
0x79: {  	_ =	shalt  }
0x7a: {  	_ =	shalt  }
0x7b: {  	_ =	shalt  }
0x7c: {  	_ =	shalt  }
0x7d: {  	_ =	shalt  }
0x7e: {  	_ =	shalt  }
0x7f: {  	_ =	shalt  }
0x80: {  	_ =	shalt  }
0x81: {  	_ =	shalt  }
0x82: {  	_ =	shalt  }
0x83: {  	_ =	shalt  }
0x84: {  	_ =	shalt  }
0x85: {  	_ =	shalt  }
0x86: {  	_ =	shalt  }
0x87: {  	_ =	shalt  }
.Lfunc_end0:
.L_simem_size_0:
called_computation_lowered:
.L_overlay_start_0:
0x88: {  	s2 =	sld [smem:$0x3FD9]  }
0x89: {  	s3 =	sld [smem:$0x3FFE];
	_ =	sdelay $0x1  }
0x8a: {  	s1 =	srdreg.scid  }
0x8b: {  	s0 =	sand.u32 $0x1, s1  }
0x8c: {  	s16 =	sshll.u32 s0, $0xA;
	s2 =	sadd.s32 s3, s2  }
0x8d: {  	s2 =	sadd.s32 s2, s16  }
0x8e: {  	[smem:$0x3FBC] =	sst s2  }
0x8f: {  	_ = 	snop  }
0x90: {  	(tm) =	ssettm $0x1  }
0x91: {  	s17 =	sld [smem:$0x3FFB];
	_ =	sdelay $0x3  }
0x92: {  	_ =	strace s17  }
0x93: {  	s2 =	sld [smem:$0x3FFC];
	_ =	sdelay $0x3  }
0x94: {  	_ =	strace s2  }
0x95: {  	s2 =	sld [smem:$0x3FFD];
	_ =	sdelay $0x3  }
0x96: {  	_ =	strace s2  }
0x97: {  	_ =	strace $0x8FFFFFFF  }
0x98: {  	s18 =	sld [smem:$0x3FDB];
	_ =	sdelay $0x1  }
0x99: {  	s19 =	simm.s32 $_scs_section_size  }
0x9a: {  	s4 =	simm.s32 $_size__tile_overlayer_lowered;
	s5 =	simm.s32 $_tile_overlayer_lowered  }
0x9b: {  	s22 =	simm.s32 $0x1BFF;
	s21 =	sshll.u32 s5, $0x1;
	s2 =	sadd.s32 s19, s18  }
0x9c: {  	s6 =	simm.s32 $0x0;
	s20 =	sshll.u32 s4, $0x1;
	s4 =	sadd.s32 s21, s2  }
0x9d: {  	[timem:s6], [sflag:s22] =	dma.local [hbm:s4], s20  }
0x9e: {  	_ =	swait.ge [sflag:s22], s20  }
0x9f: {  	s3 =	ssub.s32 $0x0, s20;
	[sflag:s22] =	ssyncset.done $0x0  }
0xa0: {  	[sflag:s22] =	ssyncadd.s32 s3;
	_ =	sdelay $0x1  }
0xa1: {  	s23 =	simm.s32 $0x1B8B  }
0xa2: {  	_ =	swait.ge [sflag:s23], $0x1  }
0xa3: {  	[sflag:s23] =	ssyncset.done $0x0  }
0xa4: {  	s25 =	simm.s32 $0x1B8E;
	s24 =	sld [smem:$0x3FFE];
	[sflag:s23] =	ssyncadd.s32 $0xFFFFFFFF  }
0xa5: {  	s26 =	simm.s32 $execute0_lowered;
	[smem:$0x3FD2] =	sst s25  }
0xa6: {  	s4 =	sshll.u32 s26, $0x1;
	_ =	strace $0x80000046;
	[dreg:$0x1] =	wrdreg $0xFFFFFFFF  }
0xa7: {  	s28 =	simm.s32 $_size_execute0_lowered;
	s2 =	sadd.s32 s2, s4;
	[dreg:$0x0] =	wrdreg $0x0  }
0xa8: {  	s4 =	sshll.u32 s28, $0x1;
	[dreg:$0x2] =	wrdreg s2  }
0xa9: {  	[dreg:$0x3] =	wrdreg s4  }
0xaa: {  	[dreg:$0x4] =	wrdreg $0xC0  }
0xab: {  	_ =	task [dreg:s6], $0x5FFFF  }
0xac: {  	[dreg:$0x1] =	wrdreg $0xFFFFFFFF  }
0xad: {  	[dreg:$0x0] =	wrdreg $0x60  }
0xae: {  	[dreg:$0x2] =	wrdreg s24  }
0xaf: {  	[dreg:$0x3] =	wrdreg $0x9  }
0xb0: {  	_ =	task.clear_ibuf [dreg:s6], $0x4FFFF;
	_ =	strace $0x90000046  }
0xb1: {  	s29 =	simm.s32 $0x9;
	_ =	strace $0x80000048  }
0xb2: {  	_ =	swait.ge [sflag:s29], $0x1  }
0xb3: {  	[sflag:s29] =	ssyncadd.s32 $0xFFFFFFFF  }
0xb4: {  	_ =	strace $0x90000048  }
0xb5: {  	_ =	sfence  }
0xb6: {  	s30 =	sld [smem:$0x0];
	_ =	sdelay $0x2  }
0xb7: {  	s31 =	sshll.u32 s1, $0xD;
	s1 =	sshrl.u32 s1, $0x2  }
0xb8: {  	s3 =	sand.u32 $0x4000, s31;
	s1 =	sadd.s32 s1, s30  }
0xb9: {  	s0 =	sor.u32 s3, s0;
	s1 =	sshll.u32 s1, $0x11  }
0xba: {  	s0 =	sor.u32 s1, s0  }
0xbb: {  	s0 =	sadd.s32 $0x8F2B, s0  }
0xbc: {  	[sflag:s0] =	ssyncadd.remote.s32 $0x1  }
0xbd: {  	_ =	sfence.sel $0xFFFF  }
0xbe: {  	[dreg:$0x0] =	wrdreg $0xFFFFFFFF;
	(pc) =	sbr.abs _section_cstart, $3  }
0xbf: {  	[dreg:$0x1] =	wrdreg $0xFFFFFFFF  }
0xc0: {  	_ =	task.clear_ibuf [dreg:s6], $0x2FFFF;
	_ =	strace $0x9FFFFFFF  }
0xc1: {  	(tm) =	ssettm $0x7FFFFFFF  }
tec
execute0_lowered:
.L_overlay_start_1:
0x0: {  	(tag) =	ssettag $0x1  }
0x1: {  	s1 =	srdreg.scid;
	s0 =	stileid.u32  }
0x2: {  	s4 =	rddreg [dreg:$0x0];
	s9 =	simm.s32 $0x400;
	s10 =	simm.s32 $0x0  }
0x3: {  	s3 =	sand.u32 $0x1, s1;
	s2 =	sshrl.u32 s0, $0x3;
	s7 =	smul.u32 $0xA00, s0  }
0x4: {  	s1 =	rddreg [dreg:$0x1];
	s8 =	sshll.u32 s0, $0x7;
	s5 =	smul.u32 $0x28000, s3  }
0x5: {  	s6 =	smul.u32 $0x14000, s2;
	s2 =	simm.s32 $0x0;
	s26 =	sand.u32 $0x380, s8  }
0x6: {  	s28 =	ssub.s32 $0x2, s3;
	s29 =	smul.u32 $0x500, s3;
	s3 =	sadd.s32 $0x10000, s4  }
0x7: {  	s8 =	simm.s32 $0x1;
	[smem:$0x7FF] =	sst s2;
	s5 =	sadd.s32 s5, s6  }
0x8: {  	s7 =	sadd.s32 s7, s4;
	s30 =	sshrl.u32 s28, $0x1;
	s5 =	sor.u32 s26, s5  }
0x9: {  	_ =	strace $0x80000047;
	s31 =	sadd.s32 s29, s7;
	s5 =	sshrl.u32 s5, $0x3  }
0xa: {  	s7 =	simm.s32 $0x80;
	s4 =	sadd.s32 s5, s4;
	s5 =	ssub.s32 s28, s30  }
0xb: {  	v0 =	vimm.f32 $1.000000000e+00;
	s6 =	sadd.s32 $0x6000, s31;
	s4 =	sadd.s32 $0x10600, s4;
	s5 =	smax.u32 s5, $0x1  }
.LBB2_1:
0xc: {  	[tilespmem:s7], [sflag:$0x1] =	stream.linear.gather [hbm4b:s3+s2], $0x2800, $0x38;
	[tilespmem:$0x2880] =	vst v63  }
0xd: {  	_ =	swait.ge [sflag:s8], $0x2800  }
0xe: {  	[sflag:s8] =	ssyncset.done $0x0  }
0xf: {  	s11 =	simm.s32 $0x0;
	[sflag:s8] =	ssyncadd.s32 $0xFFFFD800  }
.LBB2_2:
0x10: {  	s12 =	sadd.s32 s11, s6  }
0x11: {  	[tilespmem:s2], [sflag:$0x1] =	stream.linear.gather [hbm4b:s12+s2], $0x80, $0x38;
	[tilespmem:$0x2880] =	vst v63  }
0x12: {  	_ =	swait.ge [sflag:s8], $0x80  }
0x13: {  	[sflag:s8] =	ssyncset.done $0x0  }
0x14: {  	[sflag:s8] =	ssyncadd.s32 $0xFFFFFF80  }
0x15: {  	v1 =	vld [tilespmem:$0x0];
	_ =	sdelay $0x7  }
0x16: {  	[tilespmem:v1+s7+$0x0] =	vst.idx.add.f32.msk $0xffff, v0  }
0x17: {  	v1 =	vld [tilespmem:$0x10];
	_ =	sdelay $0x7  }
0x18: {  	[tilespmem:v1+s7+$0x0] =	vst.idx.add.f32.msk $0xffff, v0  }
0x19: {  	v1 =	vld [tilespmem:$0x20];
	_ =	sdelay $0x7  }
0x1a: {  	[tilespmem:v1+s7+$0x0] =	vst.idx.add.f32.msk $0xffff, v0  }
0x1b: {  	v1 =	vld [tilespmem:$0x30];
	_ =	sdelay $0x7  }
0x1c: {  	[tilespmem:v1+s7+$0x0] =	vst.idx.add.f32.msk $0xffff, v0  }
0x1d: {  	v1 =	vld [tilespmem:$0x40];
	_ =	sdelay $0x7  }
0x1e: {  	[tilespmem:v1+s7+$0x0] =	vst.idx.add.f32.msk $0xffff, v0  }
0x1f: {  	v1 =	vld [tilespmem:$0x50];
	_ =	sdelay $0x7  }
0x20: {  	[tilespmem:v1+s7+$0x0] =	vst.idx.add.f32.msk $0xffff, v0  }
0x21: {  	v1 =	vld [tilespmem:$0x60];
	_ =	sdelay $0x7  }
0x22: {  	[tilespmem:v1+s7+$0x0] =	vst.idx.add.f32.msk $0xffff, v0  }
0x23: {  	v1 =	vld [tilespmem:$0x70];
	_ =	sdelay $0x2  }
0x24: {  	p0 =	sne.s32 s11, $0x4F0  }
.Ltmp0:
0x25: {  	_ = 	snop;
	(pc) =	sbr.rel @p0 .LBB2_2-.Ltmp0, $2  }
0x26: {  	_ =	sdelay $0x2  }
0x27: {  	s11 =	sadd.s32 $0x10, s11;
	[tilespmem:v1+s7+$0x0] =	vst.idx.add.f32.msk $0xffff, v0  }
0x28: {  	s10 =	sadd.s32 $0x1, s10  }
0x29: {  	p0 =	sne.s32 s10, s5  }
.Ltmp1:
0x2a: {  	_ = 	snop;
	(pc) =	sbr.rel @p0 .LBB2_1-.Ltmp1, $4  }
0x2b: {  	[hbm4b:s4+s7] =	stream.strided.scatter [tilespmem:s7], [sflag:$0x1], $0x2800, s9, s7, $0x38;
	[tilespmem:$0x2880] =	vst v63  }
0x2c: {  	_ =	swait.ge [sflag:s8], $0x2800  }
0x2d: {  	[sflag:s8] =	ssyncset.done $0x0  }
0x2e: {  	[sflag:s8] =	ssyncadd.s32 $0xFFFFD800  }
0x2f: {  	_ =	sfence.sel $0x180000  }
0x30: {  	[bflag:$0x0] =	sbarrier.arrive $0xFFFF  }
0x31: {  	p0 =	sne.s32 s0, $0x0;
	_ =	strace $0x90000047  }
0x32: {  	s0 =	sadd.s32 @!p0 $0x100000, s1;
	[bflag:$0x2] =	sbarrier.arrive $0xFFFF  }
0x33: {  	[sflag:s0] =	ssyncadd.tile.s32 @!p0 $0x1;
	_ =	shalt  }
.Lfunc_end2:
_tile_overlayer_lowered:
.L_overlay_start_2:
0x34: {  	(tag) =	ssettag $0x2  }
0x35: {  	s0 =	rddreg [dreg:$0x0];
	s2 =	stileid.u32  }
0x36: {  	s1 =	rddreg [dreg:$0x1];
	p0 =	sne.s32 s2, $0x0  }
0x37: {  	s3 =	rddreg [dreg:$0x2];
	[bflag:$0x3] =	sbarrier.arrive $0xFFFF;
	s2 =	simm.s32 @!p0 $0x1C01  }
0x38: {  	[timem:s3], [sflag:s2] =	dma.local @!p0 [hbm:s0], s1  }
0x39: {  	s0 =	simm.s32 @!p0 $0x1  }
0x3a: {  	_ =	swait.ge @!p0 [sflag:s0], s1  }
0x3b: {  	s1 =	ssub.s32 @!p0 $0x0, s1;
	[sflag:s0] =	ssyncset.done @!p0 $0x0  }
0x3c: {  	[sflag:s0] =	ssyncadd.s32 @!p0 s1  }
0x3d: {  	[bflag:$0x3] =	sbarrier.arrive $0xFFFF  }
0x3e: {  	_ =	shalt  }

// kernel: kernel.15.cloned.1.call-start
scs
__scs_entry_jumppad:
0x0: {  	(pc) =	sbr.rel $0x88, $3  }
0x1: {  	(tag) =	ssettag $0x0;
	lr =	simm.s32 $0x1  }
0x2: {  	[smem:$0x3F95] =	sst lr;
	_ =	strace $0xD0000000  }
0x3: {  	_ = 	snop  }
0x4: {  	_ = 	snop  }
0x5: {  	_ = 	snop  }
0x6: {  	_ = 	snop  }
0x7: {  	_ = 	snop  }
__scs_overlays_trampoline_lowered:
0x8: {  	[smem:$0x3FA4] =	sst s0  }
0x9: {  	[smem:$0x3FA5] =	sst s1  }
0xa: {  	[smem:$0x3FA6] =	sst s2  }
0xb: {  	[smem:$0x3FA7] =	sst s3  }
0xc: {  	[smem:$0x3FA8] =	sst s4  }
0xd: {  	[smem:$0x3FA9] =	sst s5  }
0xe: {  	[smem:$0x3FAA] =	sst s6  }
0xf: {  	[smem:$0x3FAB] =	sst s7  }
0x10: {  	[smem:$0x3FAC] =	sst s8  }
0x11: {  	[smem:$0x3FAD] =	sst s9;
	s0 =	simm.s32 @!p0 $0x0  }
0x12: {  	s1 =	sld [smem:$0x3F93];
	s0 =	simm.s32 @p0 $0x1  }
0x13: {  	[smem:$0x3FAE] =	sst s0;
	s0 =	simm.s32 @!p1 $0x0  }
0x14: {  	s2 =	sld [smem:$0x3F92];
	s0 =	simm.s32 @p1 $0x1  }
0x15: {  	[smem:$0x3FAF] =	sst s0;
	s0 =	simm.s32 @!p2 $0x0  }
0x16: {  	s3 =	sld [smem:$0x3FDB];
	s0 =	simm.s32 @p2 $0x1  }
0x17: {  	s4 =	simm.s32 $0x1BF5;
	[smem:$0x3FB1] =	sst s0  }
0x18: {  	s0 =	sld [smem:$0x3F94];
	_ =	swait.ge [sflag:s4], $0x0  }
0x19: {  	s7 =	sld [smem:$0x3F95]  }
0x1a: {  	s8 =	sadd.s32 $0xFFFFE003, lr  }
0x1b: {  	s9 =	sadd.s32 $0xFFFFFEF7, lr;
	s5 =	simm.s32 $0xFFFFFFFF;
	p2 =	slt.u32 s8, $0xFFFFF086  }
0x1c: {  	p1 =	slt.u32 s9, $0xF7A;
	s5 =	simm.s32 @!p2 $0x0  }
0x1d: {  	s5 =	simm.s32 @p1 $0x1;
	p0 =	seq.s32 s7, s2  }
0x1e: {  	s7 =	smul.u32 @!p0 $0xF7A, s2;
	p2 =	seq.s32 @!p0 s5, $0x0  }
0x1f: {  	s9 =	smul.u32 $0xF7A, s1;
	s8 =	simm.s32 @!p0 $0x1BF5;
	p2 =	por !p2, p0  }
0x20: {  	[sflag:s8] =	ssyncset.s32 @!p0 $0xFFFFF086;
	s6 =	sadd.s32 @!p0 s3, s7;
	s7 =	simm.s32 @!p0 $0x108  }
0x21: {  	s3 =	sadd.s32 s3, s9;
	s6 =	sadd.s32 @!p0 $0x88, s6;
	s7 =	simm.s32 @p2 $0x1082  }
0x22: {  	[simem:s7], [sflag:s8] =	dma.local @!p0 [hbm:s6], $0xF7A  }
0x23: {  	s9 =	sor.u32 $0xD0000000, s2;
	s6 =	simm.s32 $0x108;
	_ =	swait.ge @!p0 [sflag:s8], $0x0  }
0x24: {  	s3 =	sadd.s32 $0x88, s3;
	s6 =	simm.s32 @!p1 $0x1082;
	[sflag:s4] =	ssyncset.s32 $0xFFFFF086  }
0x25: {  	[simem:s6], [sflag:s4] =	dma.local [hbm:s3], $0xF7A  }
0x26: {  	[smem:$0x3F95] =	sst s1;
	(tag) =	ssettag s2;
	_ =	strace s9  }
0x27: {  	s1 =	sld [smem:$0x3FA5]  }
0x28: {  	s2 =	sld [smem:$0x3FA6]  }
0x29: {  	s4 =	sld [smem:$0x3FA8]  }
0x2a: {  	p0 =	seq.s32 s5, $0x0;
	s5 =	sld [smem:$0x3FA9]  }
0x2b: {  	s6 =	sld [smem:$0x3FAA]  }
0x2c: {  	s7 =	sld [smem:$0x3FAB]  }
0x2d: {  	s3 =	simm.s32 $0x108;
	s8 =	sld [smem:$0x3FAC]  }
0x2e: {  	s3 =	simm.s32 @!p0 $0x1082;
	s9 =	sld [smem:$0x3FAD]  }
0x2f: {  	lr =	sadd.s32 s0, s3;
	s0 =	sld [smem:$0x3FA4]  }
0x30: {  	s3 =	sld [smem:$0x3FA7]  }
0x31: {  	[smem:$0x3FB0] =	sst s10  }
0x32: {  	s10 =	sld [smem:$0x3FAE];
	_ =	sdelay $0x3  }
0x33: {  	p0 =	seq.s32 s10, $0x1;
	s10 =	sld [smem:$0x3FB0];
	_ =	sdelay $0x3  }
0x34: {  	[smem:$0x3FB0] =	sst s10  }
0x35: {  	s10 =	sld [smem:$0x3FAF];
	_ =	sdelay $0x3  }
0x36: {  	p1 =	seq.s32 s10, $0x1;
	s10 =	sld [smem:$0x3FB0];
	_ =	sdelay $0x3  }
0x37: {  	[smem:$0x3FB0] =	sst s10  }
0x38: {  	s10 =	sld [smem:$0x3FB1]  }
0x39: {  	_ = 	snop;
	(pc) =	sbr.ind lr, $3  }
0x3a: {  	_ = 	snop  }
0x3b: {  	_ = 	snop  }
0x3c: {  	p2 =	seq.s32 s10, $0x1;
	s10 =	sld [smem:$0x3FB0]  }
0x3d: {  	_ =	shalt  }
0x3e: {  	_ =	shalt  }
0x3f: {  	_ =	shalt  }
0x40: {  	_ =	shalt  }
0x41: {  	_ =	shalt  }
0x42: {  	_ =	shalt  }
0x43: {  	_ =	shalt  }
0x44: {  	_ =	shalt  }
0x45: {  	_ =	shalt  }
0x46: {  	_ =	shalt  }
0x47: {  	_ =	shalt  }
0x48: {  	_ =	shalt  }
0x49: {  	_ =	shalt  }
0x4a: {  	_ =	shalt  }
0x4b: {  	_ =	shalt  }
0x4c: {  	_ =	shalt  }
0x4d: {  	_ =	shalt  }
0x4e: {  	_ =	shalt  }
0x4f: {  	_ =	shalt  }
0x50: {  	_ =	shalt  }
0x51: {  	_ =	shalt  }
0x52: {  	_ =	shalt  }
0x53: {  	_ =	shalt  }
0x54: {  	_ =	shalt  }
0x55: {  	_ =	shalt  }
0x56: {  	_ =	shalt  }
0x57: {  	_ =	shalt  }
0x58: {  	_ =	shalt  }
0x59: {  	_ =	shalt  }
0x5a: {  	_ =	shalt  }
0x5b: {  	_ =	shalt  }
0x5c: {  	_ =	shalt  }
0x5d: {  	_ =	shalt  }
0x5e: {  	_ =	shalt  }
0x5f: {  	_ =	shalt  }
0x60: {  	_ =	shalt  }
0x61: {  	_ =	shalt  }
0x62: {  	_ =	shalt  }
0x63: {  	_ =	shalt  }
0x64: {  	_ =	shalt  }
0x65: {  	_ =	shalt  }
0x66: {  	_ =	shalt  }
0x67: {  	_ =	shalt  }
0x68: {  	_ =	shalt  }
0x69: {  	_ =	shalt  }
0x6a: {  	_ =	shalt  }
0x6b: {  	_ =	shalt  }
0x6c: {  	_ =	shalt  }
0x6d: {  	_ =	shalt  }
0x6e: {  	_ =	shalt  }
0x6f: {  	_ =	shalt  }
0x70: {  	_ =	shalt  }
0x71: {  	_ =	shalt  }
0x72: {  	_ =	shalt  }
0x73: {  	_ =	shalt  }
0x74: {  	_ =	shalt  }
0x75: {  	_ =	shalt  }
0x76: {  	_ =	shalt  }
0x77: {  	_ =	shalt  }
0x78: {  	_ =	shalt  }
0x79: {  	_ =	shalt  }
0x7a: {  	_ =	shalt  }
0x7b: {  	_ =	shalt  }
0x7c: {  	_ =	shalt  }
0x7d: {  	_ =	shalt  }
0x7e: {  	_ =	shalt  }
0x7f: {  	_ =	shalt  }
0x80: {  	_ =	shalt  }
0x81: {  	_ =	shalt  }
0x82: {  	_ =	shalt  }
0x83: {  	_ =	shalt  }
0x84: {  	_ =	shalt  }
0x85: {  	_ =	shalt  }
0x86: {  	_ =	shalt  }
0x87: {  	_ =	shalt  }
.Lfunc_end0:
.L_simem_size_0:
called_computation.1_lowered:
.L_overlay_start_0:
0x88: {  	s2 =	sld [smem:$0x3FD9]  }
0x89: {  	s3 =	sld [smem:$0x3FFE];
	_ =	sdelay $0x1  }
0x8a: {  	s1 =	srdreg.scid  }
0x8b: {  	s0 =	sand.u32 $0x1, s1  }
0x8c: {  	s17 =	sshll.u32 s0, $0xA;
	s2 =	sadd.s32 s3, s2  }
0x8d: {  	s2 =	sadd.s32 s2, s17  }
0x8e: {  	[smem:$0x3FBC] =	sst s2  }
0x8f: {  	_ = 	snop  }
0x90: {  	s2 =	sld [smem:$0x3FD0];
	(tm) =	ssettm $0x1  }
0x91: {  	s18 =	sld [smem:$0x3FFB];
	_ =	sdelay $0x3  }
0x92: {  	_ =	strace s18  }
0x93: {  	s3 =	sld [smem:$0x3FFC];
	_ =	sdelay $0x3  }
0x94: {  	_ =	strace s3  }
0x95: {  	s3 =	sld [smem:$0x3FFD];
	_ =	sdelay $0x3  }
0x96: {  	_ =	strace s3  }
0x97: {  	_ =	strace $0x8FFFFFFF  }
0x98: {  	s19 =	sld [smem:$0x3FDB];
	_ =	sdelay $0x1  }
0x99: {  	s4 =	simm.s32 $_scs_section_size  }
0x9a: {  	s5 =	simm.s32 $_size__tile_overlayer_lowered;
	s6 =	simm.s32 $_tile_overlayer_lowered  }
0x9b: {  	s22 =	simm.s32 $0x1BFF;
	s21 =	sshll.u32 s6, $0x1;
	s3 =	sadd.s32 s4, s19  }
0x9c: {  	s7 =	simm.s32 $0x0;
	s20 =	sshll.u32 s5, $0x1;
	s5 =	sadd.s32 s21, s3  }
0x9d: {  	[timem:s7], [sflag:s22] =	dma.local [hbm:s5], s20  }
0x9e: {  	_ =	swait.ge [sflag:s22], s20  }
0x9f: {  	s4 =	ssub.s32 $0x0, s20;
	[sflag:s22] =	ssyncset.done $0x0  }
0xa0: {  	[sflag:s22] =	ssyncadd.s32 s4;
	_ =	sdelay $0x1  }
0xa1: {  	s23 =	simm.s32 $0x1B8B  }
0xa2: {  	_ =	swait.ge [sflag:s23], $0x1  }
0xa3: {  	[sflag:s23] =	ssyncset.done $0x0  }
0xa4: {  	s25 =	simm.s32 $0x1B8E;
	s24 =	sld [smem:$0x3FFE];
	[sflag:s23] =	ssyncadd.s32 $0xFFFFFFFF  }
0xa5: {  	s26 =	simm.s32 $execute0_lowered;
	[smem:$0x3FD2] =	sst s25  }
0xa6: {  	s5 =	sshll.u32 s26, $0x1;
	_ =	strace $0x80000049;
	[dreg:$0x1] =	wrdreg $0xFFFFFFFF  }
0xa7: {  	s28 =	simm.s32 $_size_execute0_lowered;
	s3 =	sadd.s32 s3, s5;
	[dreg:$0x0] =	wrdreg $0x0  }
0xa8: {  	s5 =	sshll.u32 s28, $0x1;
	[dreg:$0x2] =	wrdreg s3  }
0xa9: {  	[dreg:$0x3] =	wrdreg s5  }
0xaa: {  	[dreg:$0x4] =	wrdreg $0xC0  }
0xab: {  	_ =	task [dreg:s7], $0x5FFFF  }
0xac: {  	[dreg:$0x1] =	wrdreg $0xFFFFFFFF  }
0xad: {  	[dreg:$0x0] =	wrdreg $0x60  }
0xae: {  	[dreg:$0x2] =	wrdreg s24  }
0xaf: {  	[dreg:$0x3] =	wrdreg s2  }
0xb0: {  	[dreg:$0x4] =	wrdreg $0x90000  }
0xb1: {  	[dreg:$0x5] =	wrdreg $0x9  }
0xb2: {  	_ =	task.clear_ibuf [dreg:s7], $0x6FFFF;
	_ =	strace $0x90000049  }
0xb3: {  	s29 =	simm.s32 $0x9;
	_ =	strace $0x8000004B  }
0xb4: {  	_ =	swait.ge [sflag:s29], $0x1  }
0xb5: {  	[sflag:s29] =	ssyncadd.s32 $0xFFFFFFFF  }
0xb6: {  	_ =	strace $0x9000004B  }
0xb7: {  	_ =	sfence  }
0xb8: {  	s30 =	sld [smem:$0x0];
	_ =	sdelay $0x2  }
0xb9: {  	s31 =	sshll.u32 s1, $0xD;
	s1 =	sshrl.u32 s1, $0x2  }
0xba: {  	s3 =	sand.u32 $0x4000, s31;
	s1 =	sadd.s32 s1, s30  }
0xbb: {  	s0 =	sor.u32 s3, s0;
	s1 =	sshll.u32 s1, $0x11  }
0xbc: {  	s0 =	sor.u32 s1, s0  }
0xbd: {  	s0 =	sadd.s32 $0x8F2B, s0  }
0xbe: {  	[sflag:s0] =	ssyncadd.remote.s32 $0x1  }
0xbf: {  	_ =	sfence.sel $0xFFFF  }
0xc0: {  	[dreg:$0x0] =	wrdreg $0xFFFFFFFF;
	(pc) =	sbr.abs _section_cstart, $3  }
0xc1: {  	[dreg:$0x1] =	wrdreg $0xFFFFFFFF  }
0xc2: {  	_ =	task.clear_ibuf [dreg:s7], $0x2FFFF;
	_ =	strace $0x9FFFFFFF  }
0xc3: {  	(tm) =	ssettm $0x7FFFFFFF  }
tec
execute0_lowered:
.L_overlay_start_1:
0x0: {  	(tag) =	ssettag $0x1  }
0x1: {  	s1 =	srdreg.scid;
	s6 =	rddreg [dreg:$0x0]  }
0x2: {  	s0 =	stileid.u32;
	s8 =	rddreg [dreg:$0x1]  }
0x3: {  	s2 =	rddreg [dreg:$0x2];
	s3 =	simm.s32 $0x0;
	s14 =	simm.s32 $0x80  }
0x4: {  	s15 =	simm.s32 $0x5000;
	s16 =	simm.s32 $0x1;
	s17 =	simm.s32 $0x0  }
0x5: {  	s7 =	sand.u32 $0x1, s1;
	s29 =	sshll.u32 s0, $0x1;
	s10 =	smul.u32 $0x14000, s0  }
0x6: {  	[smem:$0x7FF] =	sst s3;
	s4 =	sadd.s32 $0x10000, s6;
	s12 =	smul.u32 $0x50000, s0  }
0x7: {  	s31 =	sshll.u32 s0, $0x6;
	s1 =	sor.u32 s7, s29;
	s5 =	smul.u32 $0x140000, s7  }
0x8: {  	s7 =	ssub.s32 $0x2, s7;
	s9 =	smul.u32 $0x500, s1;
	s1 =	rddreg [dreg:$0x3]  }
0x9: {  	_ =	strace $0x8000004A;
	s30 =	sshrl.u32 s7, $0x1;
	s12 =	sshrl.u32 s12, $0x2  }
0xa: {  	s10 =	sadd.s32 s10, s5;
	s5 =	sadd.s32 $0x38000, s6;
	s13 =	ssub.s32 s7, s30  }
0xb: {  	s12 =	sadd.s32 s12, s2;
	s11 =	sadd.s32 s9, s6;
	s10 =	sshrl.u32 s10, $0x3  }
0xc: {  	s7 =	sadd.s32 s8, s9;
	s10 =	sadd.s32 s10, s6;
	s6 =	sor.u32 $0x1C02, s31  }
0xd: {  	s8 =	sadd.s32 $0x6000, s11;
	s11 =	sshrl.u32 s12, $0x3;
	s12 =	simm.s32 $0x2  }
0xe: {  	s9 =	sadd.s32 $0x3A800, s10;
	s10 =	smax.u32 s13, $0x1;
	s13 =	simm.s32 $0x2800  }
.LBB2_1:
0xf: {  	[spmem:s11], [sflag:s6] =	dma.local [hbm:s5], $0x2800  }
0x10: {  	_ =	swait.ge [sflag:s12], $0x2800  }
0x11: {  	[sflag:s12] =	ssyncset.done $0x0  }
0x12: {  	[sflag:s12] =	ssyncadd.s32 $0xFFFFD800  }
0x13: {  	[tilespmem:s3], [sflag:$0x2] =	stream.linear.gather [hbm4b:s7+s3], $0x2800, $0x38;
	[tilespmem:$0x1D000] =	vst v63  }
0x14: {  	_ =	swait.ge [sflag:s12], $0x2800  }
0x15: {  	[sflag:s12] =	ssyncset.done $0x0  }
0x16: {  	[sflag:s12] =	ssyncadd.s32 $0xFFFFD800  }
0x17: {  	[tilespmem:s13], [sflag:$0x2] =	stream.linear.gather [hbm4b:s8+s3], $0x2800, $0x38;
	[tilespmem:$0x1D000] =	vst v63  }
0x18: {  	_ =	swait.ge [sflag:s12], $0x2800  }
0x19: {  	[sflag:s12] =	ssyncset.done $0x0  }
0x1a: {  	[sflag:s12] =	ssyncadd.s32 $0xFFFFD800  }
0x1b: {  	s18 =	simm.s32 $0x0;
	[bflag:$0x0] =	sbarrier.arrive $0xFFFF  }
0x1c: {  	[tilespmem:s15], [sflag:$0x1] =	stream.indirect.gather [hbm4b:s4+s14], $0x80, s18, s14, $0xb8;
	[tilespmem:$0x1D000] =	vst v63  }
0x1d: {  	_ =	swait.ge [sflag:s16], $0x4000  }
0x1e: {  	[sflag:s16] =	ssyncset.done $0x0  }
0x1f: {  	s31 =	simm.s32 $0x2800;
	[sflag:s16] =	ssyncadd.s32 $0xFFFFC000  }
0x20: {  	[spmem:s2] =	stream.indirect.scatter.add.f32 [tilespmem:s15], [sflag:$0x2], $0x80, s31, s14, $0xb8;
	[tilespmem:$0x1D000] =	vst v63  }
0x21: {  	_ =	swait.ge [sflag:s12], $0x4000  }
0x22: {  	s19 =	simm.s32 $0x400;
	s18 =	simm.s32 $0x200;
	[sflag:s12] =	ssyncset.done $0x0  }
.LBB2_2:
0x23: {  	s20 =	sshra.s32 s18, $0x2  }
0x24: {  	[sflag:s12] =	ssyncadd.s32 $0xFFFFC000;
	s18 =	smov.u32 s19;
	s21 =	sadd.s32 $0x200, s19  }
0x25: {  	[tilespmem:s15], [sflag:$0x1] =	stream.indirect.gather [hbm4b:s4+s14], $0x80, s20, s14, $0xb8;
	[tilespmem:$0x1D000] =	vst v63  }
0x26: {  	p0 =	sne.s32 s19, $0x9E00;
	_ =	swait.ge [sflag:s16], $0x4000  }
.Ltmp0:
0x27: {  	[sflag:s16] =	ssyncset.done $0x0;
	(pc) =	sbr.rel @p0 .LBB2_2-.Ltmp0, $4  }
0x28: {  	s19 =	sadd.s32 $0x2800, s20;
	[sflag:s16] =	ssyncadd.s32 $0xFFFFC000  }
0x29: {  	[spmem:s2] =	stream.indirect.scatter.add.f32 [tilespmem:s15], [sflag:$0x2], $0x80, s19, s14, $0xb8;
	[tilespmem:$0x1D000] =	vst v63  }
0x2a: {  	_ =	swait.ge [sflag:s12], $0x4000  }
0x2b: {  	s19 =	smov.u32 s21;
	[sflag:s12] =	ssyncset.done $0x0  }
0x2c: {  	s18 =	sshra.s32 s18, $0x2;
	[sflag:s12] =	ssyncadd.s32 $0xFFFFC000  }
0x2d: {  	[tilespmem:s15], [sflag:$0x1] =	stream.indirect.gather [hbm4b:s4+s14], $0x80, s18, s14, $0xb8;
	[tilespmem:$0x1D000] =	vst v63  }
0x2e: {  	_ =	swait.ge [sflag:s16], $0x4000  }
0x2f: {  	[sflag:s16] =	ssyncset.done $0x0  }
0x30: {  	s18 =	sadd.s32 $0x2800, s18;
	[sflag:s16] =	ssyncadd.s32 $0xFFFFC000  }
0x31: {  	[spmem:s2] =	stream.indirect.scatter.add.f32 [tilespmem:s15], [sflag:$0x2], $0x80, s18, s14, $0xb8;
	[tilespmem:$0x1D000] =	vst v63  }
0x32: {  	_ =	swait.ge [sflag:s12], $0x4000  }
0x33: {  	s17 =	sadd.s32 $0x1, s17;
	[sflag:s12] =	ssyncset.done $0x0  }
0x34: {  	p0 =	sne.s32 s17, s10;
	[sflag:s12] =	ssyncadd.s32 $0xFFFFC000  }
.Ltmp1:
0x35: {  	[bflag:$0x0] =	sbarrier.arrive $0xFFFF;
	(pc) =	sbr.rel @p0 .LBB2_1-.Ltmp1, $4  }
0x36: {  	[hbm:s9], [sflag:s6] =	dma.local [spmem:s11], $0x2800  }
0x37: {  	_ =	swait.ge [sflag:s12], $0x2800  }
0x38: {  	[sflag:s12] =	ssyncset.done $0x0  }
0x39: {  	[sflag:s12] =	ssyncadd.s32 $0xFFFFD800  }
0x3a: {  	_ =	sfence.sel $0x180000  }
0x3b: {  	[bflag:$0x0] =	sbarrier.arrive $0xFFFF  }
0x3c: {  	p0 =	sne.s32 s0, $0x0;
	_ =	strace $0x9000004A  }
0x3d: {  	s0 =	sadd.s32 @!p0 $0x100000, s1;
	[bflag:$0x2] =	sbarrier.arrive $0xFFFF  }
0x3e: {  	[sflag:s0] =	ssyncadd.tile.s32 @!p0 $0x1;
	_ =	shalt  }
.Lfunc_end2:
_tile_overlayer_lowered:
.L_overlay_start_2:
0x3f: {  	(tag) =	ssettag $0x2  }
0x40: {  	s0 =	rddreg [dreg:$0x0];
	s2 =	stileid.u32  }
0x41: {  	s1 =	rddreg [dreg:$0x1];
	p0 =	sne.s32 s2, $0x0  }
0x42: {  	s3 =	rddreg [dreg:$0x2];
	[bflag:$0x3] =	sbarrier.arrive $0xFFFF;
	s2 =	simm.s32 @!p0 $0x1C02  }
0x43: {  	[timem:s3], [sflag:s2] =	dma.local @!p0 [hbm:s0], s1  }
0x44: {  	s0 =	simm.s32 @!p0 $0x2  }
0x45: {  	_ =	swait.ge @!p0 [sflag:s0], s1  }
0x46: {  	s1 =	ssub.s32 @!p0 $0x0, s1;
	[sflag:s0] =	ssyncset.done @!p0 $0x0  }
0x47: {  	[sflag:s0] =	ssyncadd.s32 @!p0 s1  }
0x48: {  	[bflag:$0x3] =	sbarrier.arrive $0xFFFF  }
0x49: {  	_ =	shalt  }

// kernel: kernel.18.cloned.1.call-start
scs
__scs_entry_jumppad:
0x0: {  	(pc) =	sbr.rel $0x88, $3  }
0x1: {  	(tag) =	ssettag $0x0;
	lr =	simm.s32 $0x1  }
0x2: {  	[smem:$0x3F95] =	sst lr;
	_ =	strace $0xD0000000  }
0x3: {  	_ = 	snop  }
0x4: {  	_ = 	snop  }
0x5: {  	_ = 	snop  }
0x6: {  	_ = 	snop  }
0x7: {  	_ = 	snop  }
__scs_overlays_trampoline_lowered:
0x8: {  	[smem:$0x3FA4] =	sst s0  }
0x9: {  	[smem:$0x3FA5] =	sst s1  }
0xa: {  	[smem:$0x3FA6] =	sst s2  }
0xb: {  	[smem:$0x3FA7] =	sst s3  }
0xc: {  	[smem:$0x3FA8] =	sst s4  }
0xd: {  	[smem:$0x3FA9] =	sst s5  }
0xe: {  	[smem:$0x3FAA] =	sst s6  }
0xf: {  	[smem:$0x3FAB] =	sst s7  }
0x10: {  	[smem:$0x3FAC] =	sst s8  }
0x11: {  	[smem:$0x3FAD] =	sst s9;
	s0 =	simm.s32 @!p0 $0x0  }
0x12: {  	s1 =	sld [smem:$0x3F93];
	s0 =	simm.s32 @p0 $0x1  }
0x13: {  	[smem:$0x3FAE] =	sst s0;
	s0 =	simm.s32 @!p1 $0x0  }
0x14: {  	s2 =	sld [smem:$0x3F92];
	s0 =	simm.s32 @p1 $0x1  }
0x15: {  	[smem:$0x3FAF] =	sst s0;
	s0 =	simm.s32 @!p2 $0x0  }
0x16: {  	s3 =	sld [smem:$0x3FDB];
	s0 =	simm.s32 @p2 $0x1  }
0x17: {  	s4 =	simm.s32 $0x1BF5;
	[smem:$0x3FB1] =	sst s0  }
0x18: {  	s0 =	sld [smem:$0x3F94];
	_ =	swait.ge [sflag:s4], $0x0  }
0x19: {  	s7 =	sld [smem:$0x3F95]  }
0x1a: {  	s8 =	sadd.s32 $0xFFFFE003, lr  }
0x1b: {  	s9 =	sadd.s32 $0xFFFFFEF7, lr;
	s5 =	simm.s32 $0xFFFFFFFF;
	p2 =	slt.u32 s8, $0xFFFFF086  }
0x1c: {  	p1 =	slt.u32 s9, $0xF7A;
	s5 =	simm.s32 @!p2 $0x0  }
0x1d: {  	s5 =	simm.s32 @p1 $0x1;
	p0 =	seq.s32 s7, s2  }
0x1e: {  	s7 =	smul.u32 @!p0 $0xF7A, s2;
	p2 =	seq.s32 @!p0 s5, $0x0  }
0x1f: {  	s9 =	smul.u32 $0xF7A, s1;
	s8 =	simm.s32 @!p0 $0x1BF5;
	p2 =	por !p2, p0  }
0x20: {  	[sflag:s8] =	ssyncset.s32 @!p0 $0xFFFFF086;
	s6 =	sadd.s32 @!p0 s3, s7;
	s7 =	simm.s32 @!p0 $0x108  }
0x21: {  	s3 =	sadd.s32 s3, s9;
	s6 =	sadd.s32 @!p0 $0x88, s6;
	s7 =	simm.s32 @p2 $0x1082  }
0x22: {  	[simem:s7], [sflag:s8] =	dma.local @!p0 [hbm:s6], $0xF7A  }
0x23: {  	s9 =	sor.u32 $0xD0000000, s2;
	s6 =	simm.s32 $0x108;
	_ =	swait.ge @!p0 [sflag:s8], $0x0  }
0x24: {  	s3 =	sadd.s32 $0x88, s3;
	s6 =	simm.s32 @!p1 $0x1082;
	[sflag:s4] =	ssyncset.s32 $0xFFFFF086  }
0x25: {  	[simem:s6], [sflag:s4] =	dma.local [hbm:s3], $0xF7A  }
0x26: {  	[smem:$0x3F95] =	sst s1;
	(tag) =	ssettag s2;
	_ =	strace s9  }
0x27: {  	s1 =	sld [smem:$0x3FA5]  }
0x28: {  	s2 =	sld [smem:$0x3FA6]  }
0x29: {  	s4 =	sld [smem:$0x3FA8]  }
0x2a: {  	p0 =	seq.s32 s5, $0x0;
	s5 =	sld [smem:$0x3FA9]  }
0x2b: {  	s6 =	sld [smem:$0x3FAA]  }
0x2c: {  	s7 =	sld [smem:$0x3FAB]  }
0x2d: {  	s3 =	simm.s32 $0x108;
	s8 =	sld [smem:$0x3FAC]  }
0x2e: {  	s3 =	simm.s32 @!p0 $0x1082;
	s9 =	sld [smem:$0x3FAD]  }
0x2f: {  	lr =	sadd.s32 s0, s3;
	s0 =	sld [smem:$0x3FA4]  }
0x30: {  	s3 =	sld [smem:$0x3FA7]  }
0x31: {  	[smem:$0x3FB0] =	sst s10  }
0x32: {  	s10 =	sld [smem:$0x3FAE];
	_ =	sdelay $0x3  }
0x33: {  	p0 =	seq.s32 s10, $0x1;
	s10 =	sld [smem:$0x3FB0];
	_ =	sdelay $0x3  }
0x34: {  	[smem:$0x3FB0] =	sst s10  }
0x35: {  	s10 =	sld [smem:$0x3FAF];
	_ =	sdelay $0x3  }
0x36: {  	p1 =	seq.s32 s10, $0x1;
	s10 =	sld [smem:$0x3FB0];
	_ =	sdelay $0x3  }
0x37: {  	[smem:$0x3FB0] =	sst s10  }
0x38: {  	s10 =	sld [smem:$0x3FB1]  }
0x39: {  	_ = 	snop;
	(pc) =	sbr.ind lr, $3  }
0x3a: {  	_ = 	snop  }
0x3b: {  	_ = 	snop  }
0x3c: {  	p2 =	seq.s32 s10, $0x1;
	s10 =	sld [smem:$0x3FB0]  }
0x3d: {  	_ =	shalt  }
0x3e: {  	_ =	shalt  }
0x3f: {  	_ =	shalt  }
0x40: {  	_ =	shalt  }
0x41: {  	_ =	shalt  }
0x42: {  	_ =	shalt  }
0x43: {  	_ =	shalt  }
0x44: {  	_ =	shalt  }
0x45: {  	_ =	shalt  }
0x46: {  	_ =	shalt  }
0x47: {  	_ =	shalt  }
0x48: {  	_ =	shalt  }
0x49: {  	_ =	shalt  }
0x4a: {  	_ =	shalt  }
0x4b: {  	_ =	shalt  }
0x4c: {  	_ =	shalt  }
0x4d: {  	_ =	shalt  }
0x4e: {  	_ =	shalt  }
0x4f: {  	_ =	shalt  }
0x50: {  	_ =	shalt  }
0x51: {  	_ =	shalt  }
0x52: {  	_ =	shalt  }
0x53: {  	_ =	shalt  }
0x54: {  	_ =	shalt  }
0x55: {  	_ =	shalt  }
0x56: {  	_ =	shalt  }
0x57: {  	_ =	shalt  }
0x58: {  	_ =	shalt  }
0x59: {  	_ =	shalt  }
0x5a: {  	_ =	shalt  }
0x5b: {  	_ =	shalt  }
0x5c: {  	_ =	shalt  }
0x5d: {  	_ =	shalt  }
0x5e: {  	_ =	shalt  }
0x5f: {  	_ =	shalt  }
0x60: {  	_ =	shalt  }
0x61: {  	_ =	shalt  }
0x62: {  	_ =	shalt  }
0x63: {  	_ =	shalt  }
0x64: {  	_ =	shalt  }
0x65: {  	_ =	shalt  }
0x66: {  	_ =	shalt  }
0x67: {  	_ =	shalt  }
0x68: {  	_ =	shalt  }
0x69: {  	_ =	shalt  }
0x6a: {  	_ =	shalt  }
0x6b: {  	_ =	shalt  }
0x6c: {  	_ =	shalt  }
0x6d: {  	_ =	shalt  }
0x6e: {  	_ =	shalt  }
0x6f: {  	_ =	shalt  }
0x70: {  	_ =	shalt  }
0x71: {  	_ =	shalt  }
0x72: {  	_ =	shalt  }
0x73: {  	_ =	shalt  }
0x74: {  	_ =	shalt  }
0x75: {  	_ =	shalt  }
0x76: {  	_ =	shalt  }
0x77: {  	_ =	shalt  }
0x78: {  	_ =	shalt  }
0x79: {  	_ =	shalt  }
0x7a: {  	_ =	shalt  }
0x7b: {  	_ =	shalt  }
0x7c: {  	_ =	shalt  }
0x7d: {  	_ =	shalt  }
0x7e: {  	_ =	shalt  }
0x7f: {  	_ =	shalt  }
0x80: {  	_ =	shalt  }
0x81: {  	_ =	shalt  }
0x82: {  	_ =	shalt  }
0x83: {  	_ =	shalt  }
0x84: {  	_ =	shalt  }
0x85: {  	_ =	shalt  }
0x86: {  	_ =	shalt  }
0x87: {  	_ =	shalt  }
.Lfunc_end0:
.L_simem_size_0:
called_computation.2_lowered:
.L_overlay_start_0:
0x88: {  	s2 =	sld [smem:$0x3FD9]  }
0x89: {  	s3 =	sld [smem:$0x3FFE];
	_ =	sdelay $0x1  }
0x8a: {  	s1 =	srdreg.scid  }
0x8b: {  	s0 =	sand.u32 $0x1, s1  }
0x8c: {  	s17 =	sshll.u32 s0, $0xA;
	s2 =	sadd.s32 s3, s2  }
0x8d: {  	s2 =	sadd.s32 s2, s17  }
0x8e: {  	[smem:$0x3FBC] =	sst s2  }
0x8f: {  	_ = 	snop  }
0x90: {  	s2 =	sld [smem:$0x3FD0];
	(tm) =	ssettm $0x1  }
0x91: {  	s18 =	sld [smem:$0x3FFB];
	_ =	sdelay $0x3  }
0x92: {  	_ =	strace s18  }
0x93: {  	s3 =	sld [smem:$0x3FFC];
	_ =	sdelay $0x3  }
0x94: {  	_ =	strace s3  }
0x95: {  	s3 =	sld [smem:$0x3FFD];
	_ =	sdelay $0x3  }
0x96: {  	_ =	strace s3  }
0x97: {  	_ =	strace $0x8FFFFFFF  }
0x98: {  	s19 =	sld [smem:$0x3FDB];
	_ =	sdelay $0x1  }
0x99: {  	s4 =	simm.s32 $_scs_section_size  }
0x9a: {  	s5 =	simm.s32 $_size__tile_overlayer_lowered;
	s6 =	simm.s32 $_tile_overlayer_lowered  }
0x9b: {  	s22 =	simm.s32 $0x1BFF;
	s21 =	sshll.u32 s6, $0x1;
	s3 =	sadd.s32 s4, s19  }
0x9c: {  	s7 =	simm.s32 $0x0;
	s20 =	sshll.u32 s5, $0x1;
	s5 =	sadd.s32 s21, s3  }
0x9d: {  	[timem:s7], [sflag:s22] =	dma.local [hbm:s5], s20  }
0x9e: {  	_ =	swait.ge [sflag:s22], s20  }
0x9f: {  	s4 =	ssub.s32 $0x0, s20;
	[sflag:s22] =	ssyncset.done $0x0  }
0xa0: {  	[sflag:s22] =	ssyncadd.s32 s4;
	_ =	sdelay $0x1  }
0xa1: {  	s23 =	simm.s32 $0x1B8B  }
0xa2: {  	_ =	swait.ge [sflag:s23], $0x1  }
0xa3: {  	[sflag:s23] =	ssyncset.done $0x0  }
0xa4: {  	s25 =	simm.s32 $0x1B8E;
	s24 =	sld [smem:$0x3FFE];
	[sflag:s23] =	ssyncadd.s32 $0xFFFFFFFF  }
0xa5: {  	s26 =	simm.s32 $execute0_lowered;
	[smem:$0x3FD2] =	sst s25  }
0xa6: {  	s5 =	sshll.u32 s26, $0x1;
	_ =	strace $0x8000004C;
	[dreg:$0x1] =	wrdreg $0xFFFFFFFF  }
0xa7: {  	s28 =	simm.s32 $_size_execute0_lowered;
	s3 =	sadd.s32 s3, s5;
	[dreg:$0x0] =	wrdreg $0x0  }
0xa8: {  	s5 =	sshll.u32 s28, $0x1;
	[dreg:$0x2] =	wrdreg s3  }
0xa9: {  	[dreg:$0x3] =	wrdreg s5  }
0xaa: {  	[dreg:$0x4] =	wrdreg $0xC0  }
0xab: {  	_ =	task [dreg:s7], $0x5FFFF  }
0xac: {  	[dreg:$0x1] =	wrdreg $0xFFFFFFFF  }
0xad: {  	[dreg:$0x0] =	wrdreg $0x60  }
0xae: {  	[dreg:$0x2] =	wrdreg s24  }
0xaf: {  	[dreg:$0x3] =	wrdreg s2  }
0xb0: {  	[dreg:$0x4] =	wrdreg $0x90000  }
0xb1: {  	[dreg:$0x5] =	wrdreg $0x9  }
0xb2: {  	_ =	task.clear_ibuf [dreg:s7], $0x6FFFF;
	_ =	strace $0x9000004C  }
0xb3: {  	s29 =	simm.s32 $0x9;
	_ =	strace $0x8000004E  }
0xb4: {  	_ =	swait.ge [sflag:s29], $0x1  }
0xb5: {  	[sflag:s29] =	ssyncadd.s32 $0xFFFFFFFF  }
0xb6: {  	_ =	strace $0x9000004E  }
0xb7: {  	_ =	sfence  }
0xb8: {  	s30 =	sld [smem:$0x0];
	_ =	sdelay $0x2  }
0xb9: {  	s31 =	sshll.u32 s1, $0xD;
	s1 =	sshrl.u32 s1, $0x2  }
0xba: {  	s3 =	sand.u32 $0x4000, s31;
	s1 =	sadd.s32 s1, s30  }
0xbb: {  	s0 =	sor.u32 s3, s0;
	s1 =	sshll.u32 s1, $0x11  }
0xbc: {  	s0 =	sor.u32 s1, s0  }
0xbd: {  	s0 =	sadd.s32 $0x8F2B, s0  }
0xbe: {  	[sflag:s0] =	ssyncadd.remote.s32 $0x1  }
0xbf: {  	_ =	sfence.sel $0xFFFF  }
0xc0: {  	[dreg:$0x0] =	wrdreg $0xFFFFFFFF;
	(pc) =	sbr.abs _section_cstart, $3  }
0xc1: {  	[dreg:$0x1] =	wrdreg $0xFFFFFFFF  }
0xc2: {  	_ =	task.clear_ibuf [dreg:s7], $0x2FFFF;
	_ =	strace $0x9FFFFFFF  }
0xc3: {  	(tm) =	ssettm $0x7FFFFFFF  }
tec
execute0_lowered:
.L_overlay_start_1:
0x0: {  	(tag) =	ssettag $0x1  }
0x1: {  	s1 =	srdreg.scid;
	s6 =	rddreg [dreg:$0x0]  }
0x2: {  	s0 =	stileid.u32;
	s8 =	rddreg [dreg:$0x1]  }
0x3: {  	s2 =	rddreg [dreg:$0x2];
	s3 =	simm.s32 $0x0;
	s14 =	simm.s32 $0x80  }
0x4: {  	s15 =	simm.s32 $0x5000;
	s16 =	simm.s32 $0x1;
	s17 =	simm.s32 $0x0  }
0x5: {  	s7 =	sand.u32 $0x1, s1;
	s29 =	sshll.u32 s0, $0x1;
	s10 =	smul.u32 $0x14000, s0  }
0x6: {  	[smem:$0x7FF] =	sst s3;
	s4 =	sadd.s32 $0x10000, s6;
	s12 =	smul.u32 $0x50000, s0  }
0x7: {  	s31 =	sshll.u32 s0, $0x6;
	s1 =	sor.u32 s7, s29;
	s5 =	smul.u32 $0x140000, s7  }
0x8: {  	s7 =	ssub.s32 $0x2, s7;
	s9 =	smul.u32 $0x500, s1;
	s1 =	rddreg [dreg:$0x3]  }
0x9: {  	_ =	strace $0x8000004D;
	s30 =	sshrl.u32 s7, $0x1;
	s12 =	sshrl.u32 s12, $0x2  }
0xa: {  	s10 =	sadd.s32 s10, s5;
	s5 =	sadd.s32 $0x38000, s6;
	s13 =	ssub.s32 s7, s30  }
0xb: {  	s12 =	sadd.s32 s12, s2;
	s11 =	sadd.s32 s9, s6;
	s10 =	sshrl.u32 s10, $0x3  }
0xc: {  	s7 =	sadd.s32 s8, s9;
	s10 =	sadd.s32 s10, s6;
	s6 =	sor.u32 $0x1C02, s31  }
0xd: {  	s8 =	sadd.s32 $0x6000, s11;
	s11 =	sshrl.u32 s12, $0x3;
	s12 =	simm.s32 $0x2  }
0xe: {  	s9 =	sadd.s32 $0x3A800, s10;
	s10 =	smax.u32 s13, $0x1;
	s13 =	simm.s32 $0x2800  }
.LBB2_1:
0xf: {  	[spmem:s11], [sflag:s6] =	dma.local [hbm:s5], $0x2800  }
0x10: {  	_ =	swait.ge [sflag:s12], $0x2800  }
0x11: {  	[sflag:s12] =	ssyncset.done $0x0  }
0x12: {  	[sflag:s12] =	ssyncadd.s32 $0xFFFFD800  }
0x13: {  	[tilespmem:s3], [sflag:$0x2] =	stream.linear.gather [hbm4b:s7+s3], $0x2800, $0x38;
	[tilespmem:$0x1D000] =	vst v63  }
0x14: {  	_ =	swait.ge [sflag:s12], $0x2800  }
0x15: {  	[sflag:s12] =	ssyncset.done $0x0  }
0x16: {  	[sflag:s12] =	ssyncadd.s32 $0xFFFFD800  }
0x17: {  	[tilespmem:s13], [sflag:$0x2] =	stream.linear.gather [hbm4b:s8+s3], $0x2800, $0x38;
	[tilespmem:$0x1D000] =	vst v63  }
0x18: {  	_ =	swait.ge [sflag:s12], $0x2800  }
0x19: {  	[sflag:s12] =	ssyncset.done $0x0  }
0x1a: {  	[sflag:s12] =	ssyncadd.s32 $0xFFFFD800  }
0x1b: {  	s18 =	simm.s32 $0x0;
	[bflag:$0x0] =	sbarrier.arrive $0xFFFF  }
0x1c: {  	[tilespmem:s15], [sflag:$0x1] =	stream.indirect.gather [hbm4b:s4+s14], $0x80, s18, s14, $0xb8;
	[tilespmem:$0x1D000] =	vst v63  }
0x1d: {  	_ =	swait.ge [sflag:s16], $0x4000  }
0x1e: {  	[sflag:s16] =	ssyncset.done $0x0  }
0x1f: {  	s31 =	simm.s32 $0x2800;
	[sflag:s16] =	ssyncadd.s32 $0xFFFFC000  }
0x20: {  	[spmem:s2] =	stream.indirect.scatter.add.f32 [tilespmem:s15], [sflag:$0x2], $0x80, s31, s14, $0xb8;
	[tilespmem:$0x1D000] =	vst v63  }
0x21: {  	_ =	swait.ge [sflag:s12], $0x4000  }
0x22: {  	s19 =	simm.s32 $0x400;
	s18 =	simm.s32 $0x200;
	[sflag:s12] =	ssyncset.done $0x0  }
.LBB2_2:
0x23: {  	s20 =	sshra.s32 s18, $0x2  }
0x24: {  	[sflag:s12] =	ssyncadd.s32 $0xFFFFC000;
	s18 =	smov.u32 s19;
	s21 =	sadd.s32 $0x200, s19  }
0x25: {  	[tilespmem:s15], [sflag:$0x1] =	stream.indirect.gather [hbm4b:s4+s14], $0x80, s20, s14, $0xb8;
	[tilespmem:$0x1D000] =	vst v63  }
0x26: {  	p0 =	sne.s32 s19, $0x9E00;
	_ =	swait.ge [sflag:s16], $0x4000  }
.Ltmp0:
0x27: {  	[sflag:s16] =	ssyncset.done $0x0;
	(pc) =	sbr.rel @p0 .LBB2_2-.Ltmp0, $4  }
0x28: {  	s19 =	sadd.s32 $0x2800, s20;
	[sflag:s16] =	ssyncadd.s32 $0xFFFFC000  }
0x29: {  	[spmem:s2] =	stream.indirect.scatter.add.f32 [tilespmem:s15], [sflag:$0x2], $0x80, s19, s14, $0xb8;
	[tilespmem:$0x1D000] =	vst v63  }
0x2a: {  	_ =	swait.ge [sflag:s12], $0x4000  }
0x2b: {  	s19 =	smov.u32 s21;
	[sflag:s12] =	ssyncset.done $0x0  }
0x2c: {  	s18 =	sshra.s32 s18, $0x2;
	[sflag:s12] =	ssyncadd.s32 $0xFFFFC000  }
0x2d: {  	[tilespmem:s15], [sflag:$0x1] =	stream.indirect.gather [hbm4b:s4+s14], $0x80, s18, s14, $0xb8;
	[tilespmem:$0x1D000] =	vst v63  }
0x2e: {  	_ =	swait.ge [sflag:s16], $0x4000  }
0x2f: {  	[sflag:s16] =	ssyncset.done $0x0  }
0x30: {  	s18 =	sadd.s32 $0x2800, s18;
	[sflag:s16] =	ssyncadd.s32 $0xFFFFC000  }
0x31: {  	[spmem:s2] =	stream.indirect.scatter.add.f32 [tilespmem:s15], [sflag:$0x2], $0x80, s18, s14, $0xb8;
	[tilespmem:$0x1D000] =	vst v63  }
0x32: {  	_ =	swait.ge [sflag:s12], $0x4000  }
0x33: {  	s17 =	sadd.s32 $0x1, s17;
	[sflag:s12] =	ssyncset.done $0x0  }
0x34: {  	p0 =	sne.s32 s17, s10;
	[sflag:s12] =	ssyncadd.s32 $0xFFFFC000  }
.Ltmp1:
0x35: {  	[bflag:$0x0] =	sbarrier.arrive $0xFFFF;
	(pc) =	sbr.rel @p0 .LBB2_1-.Ltmp1, $4  }
0x36: {  	[hbm:s9], [sflag:s6] =	dma.local [spmem:s11], $0x2800  }
0x37: {  	_ =	swait.ge [sflag:s12], $0x2800  }
0x38: {  	[sflag:s12] =	ssyncset.done $0x0  }
0x39: {  	[sflag:s12] =	ssyncadd.s32 $0xFFFFD800  }
0x3a: {  	_ =	sfence.sel $0x180000  }
0x3b: {  	[bflag:$0x0] =	sbarrier.arrive $0xFFFF  }
0x3c: {  	p0 =	sne.s32 s0, $0x0;
	_ =	strace $0x9000004D  }
0x3d: {  	s0 =	sadd.s32 @!p0 $0x100000, s1;
	[bflag:$0x2] =	sbarrier.arrive $0xFFFF  }
0x3e: {  	[sflag:s0] =	ssyncadd.tile.s32 @!p0 $0x1;
	_ =	shalt  }
.Lfunc_end2:
_tile_overlayer_lowered:
.L_overlay_start_2:
0x3f: {  	(tag) =	ssettag $0x2  }
0x40: {  	s0 =	rddreg [dreg:$0x0];
	s2 =	stileid.u32  }
0x41: {  	s1 =	rddreg [dreg:$0x1];
	p0 =	sne.s32 s2, $0x0  }
0x42: {  	s3 =	rddreg [dreg:$0x2];
	[bflag:$0x3] =	sbarrier.arrive $0xFFFF;
	s2 =	simm.s32 @!p0 $0x1C02  }
0x43: {  	[timem:s3], [sflag:s2] =	dma.local @!p0 [hbm:s0], s1  }
0x44: {  	s0 =	simm.s32 @!p0 $0x2  }
0x45: {  	_ =	swait.ge @!p0 [sflag:s0], s1  }
0x46: {  	s1 =	ssub.s32 @!p0 $0x0, s1;
	[sflag:s0] =	ssyncset.done @!p0 $0x0  }
0x47: {  	[sflag:s0] =	ssyncadd.s32 @!p0 s1  }
0x48: {  	[bflag:$0x3] =	sbarrier.arrive $0xFFFF  }
0x49: {  	_ =	shalt  }

// kernel: kernel.21.cloned.1.call-start
scs
__scs_entry_jumppad:
0x0: {  	(pc) =	sbr.rel $0x88, $3  }
0x1: {  	(tag) =	ssettag $0x0;
	lr =	simm.s32 $0x1  }
0x2: {  	[smem:$0x3F95] =	sst lr;
	_ =	strace $0xD0000000  }
0x3: {  	_ = 	snop  }
0x4: {  	_ = 	snop  }
0x5: {  	_ = 	snop  }
0x6: {  	_ = 	snop  }
0x7: {  	_ = 	snop  }
__scs_overlays_trampoline_lowered:
0x8: {  	[smem:$0x3FA4] =	sst s0  }
0x9: {  	[smem:$0x3FA5] =	sst s1  }
0xa: {  	[smem:$0x3FA6] =	sst s2  }
0xb: {  	[smem:$0x3FA7] =	sst s3  }
0xc: {  	[smem:$0x3FA8] =	sst s4  }
0xd: {  	[smem:$0x3FA9] =	sst s5  }
0xe: {  	[smem:$0x3FAA] =	sst s6  }
0xf: {  	[smem:$0x3FAB] =	sst s7  }
0x10: {  	[smem:$0x3FAC] =	sst s8  }
0x11: {  	[smem:$0x3FAD] =	sst s9;
	s0 =	simm.s32 @!p0 $0x0  }
0x12: {  	s1 =	sld [smem:$0x3F93];
	s0 =	simm.s32 @p0 $0x1  }
0x13: {  	[smem:$0x3FAE] =	sst s0;
	s0 =	simm.s32 @!p1 $0x0  }
0x14: {  	s2 =	sld [smem:$0x3F92];
	s0 =	simm.s32 @p1 $0x1  }
0x15: {  	[smem:$0x3FAF] =	sst s0;
	s0 =	simm.s32 @!p2 $0x0  }
0x16: {  	s3 =	sld [smem:$0x3FDB];
	s0 =	simm.s32 @p2 $0x1  }
0x17: {  	s4 =	simm.s32 $0x1BF5;
	[smem:$0x3FB1] =	sst s0  }
0x18: {  	s0 =	sld [smem:$0x3F94];
	_ =	swait.ge [sflag:s4], $0x0  }
0x19: {  	s7 =	sld [smem:$0x3F95]  }
0x1a: {  	s8 =	sadd.s32 $0xFFFFE003, lr  }
0x1b: {  	s9 =	sadd.s32 $0xFFFFFEF7, lr;
	s5 =	simm.s32 $0xFFFFFFFF;
	p2 =	slt.u32 s8, $0xFFFFF086  }
0x1c: {  	p1 =	slt.u32 s9, $0xF7A;
	s5 =	simm.s32 @!p2 $0x0  }
0x1d: {  	s5 =	simm.s32 @p1 $0x1;
	p0 =	seq.s32 s7, s2  }
0x1e: {  	s7 =	smul.u32 @!p0 $0xF7A, s2;
	p2 =	seq.s32 @!p0 s5, $0x0  }
0x1f: {  	s9 =	smul.u32 $0xF7A, s1;
	s8 =	simm.s32 @!p0 $0x1BF5;
	p2 =	por !p2, p0  }
0x20: {  	[sflag:s8] =	ssyncset.s32 @!p0 $0xFFFFF086;
	s6 =	sadd.s32 @!p0 s3, s7;
	s7 =	simm.s32 @!p0 $0x108  }
0x21: {  	s3 =	sadd.s32 s3, s9;
	s6 =	sadd.s32 @!p0 $0x88, s6;
	s7 =	simm.s32 @p2 $0x1082  }
0x22: {  	[simem:s7], [sflag:s8] =	dma.local @!p0 [hbm:s6], $0xF7A  }
0x23: {  	s9 =	sor.u32 $0xD0000000, s2;
	s6 =	simm.s32 $0x108;
	_ =	swait.ge @!p0 [sflag:s8], $0x0  }
0x24: {  	s3 =	sadd.s32 $0x88, s3;
	s6 =	simm.s32 @!p1 $0x1082;
	[sflag:s4] =	ssyncset.s32 $0xFFFFF086  }
0x25: {  	[simem:s6], [sflag:s4] =	dma.local [hbm:s3], $0xF7A  }
0x26: {  	[smem:$0x3F95] =	sst s1;
	(tag) =	ssettag s2;
	_ =	strace s9  }
0x27: {  	s1 =	sld [smem:$0x3FA5]  }
0x28: {  	s2 =	sld [smem:$0x3FA6]  }
0x29: {  	s4 =	sld [smem:$0x3FA8]  }
0x2a: {  	p0 =	seq.s32 s5, $0x0;
	s5 =	sld [smem:$0x3FA9]  }
0x2b: {  	s6 =	sld [smem:$0x3FAA]  }
0x2c: {  	s7 =	sld [smem:$0x3FAB]  }
0x2d: {  	s3 =	simm.s32 $0x108;
	s8 =	sld [smem:$0x3FAC]  }
0x2e: {  	s3 =	simm.s32 @!p0 $0x1082;
	s9 =	sld [smem:$0x3FAD]  }
0x2f: {  	lr =	sadd.s32 s0, s3;
	s0 =	sld [smem:$0x3FA4]  }
0x30: {  	s3 =	sld [smem:$0x3FA7]  }
0x31: {  	[smem:$0x3FB0] =	sst s10  }
0x32: {  	s10 =	sld [smem:$0x3FAE];
	_ =	sdelay $0x3  }
0x33: {  	p0 =	seq.s32 s10, $0x1;
	s10 =	sld [smem:$0x3FB0];
	_ =	sdelay $0x3  }
0x34: {  	[smem:$0x3FB0] =	sst s10  }
0x35: {  	s10 =	sld [smem:$0x3FAF];
	_ =	sdelay $0x3  }
0x36: {  	p1 =	seq.s32 s10, $0x1;
	s10 =	sld [smem:$0x3FB0];
	_ =	sdelay $0x3  }
0x37: {  	[smem:$0x3FB0] =	sst s10  }
0x38: {  	s10 =	sld [smem:$0x3FB1]  }
0x39: {  	_ = 	snop;
	(pc) =	sbr.ind lr, $3  }
0x3a: {  	_ = 	snop  }
0x3b: {  	_ = 	snop  }
0x3c: {  	p2 =	seq.s32 s10, $0x1;
	s10 =	sld [smem:$0x3FB0]  }
0x3d: {  	_ =	shalt  }
0x3e: {  	_ =	shalt  }
0x3f: {  	_ =	shalt  }
0x40: {  	_ =	shalt  }
0x41: {  	_ =	shalt  }
0x42: {  	_ =	shalt  }
0x43: {  	_ =	shalt  }
0x44: {  	_ =	shalt  }
0x45: {  	_ =	shalt  }
0x46: {  	_ =	shalt  }
0x47: {  	_ =	shalt  }
0x48: {  	_ =	shalt  }
0x49: {  	_ =	shalt  }
0x4a: {  	_ =	shalt  }
0x4b: {  	_ =	shalt  }
0x4c: {  	_ =	shalt  }
0x4d: {  	_ =	shalt  }
0x4e: {  	_ =	shalt  }
0x4f: {  	_ =	shalt  }
0x50: {  	_ =	shalt  }
0x51: {  	_ =	shalt  }
0x52: {  	_ =	shalt  }
0x53: {  	_ =	shalt  }
0x54: {  	_ =	shalt  }
0x55: {  	_ =	shalt  }
0x56: {  	_ =	shalt  }
0x57: {  	_ =	shalt  }
0x58: {  	_ =	shalt  }
0x59: {  	_ =	shalt  }
0x5a: {  	_ =	shalt  }
0x5b: {  	_ =	shalt  }
0x5c: {  	_ =	shalt  }
0x5d: {  	_ =	shalt  }
0x5e: {  	_ =	shalt  }
0x5f: {  	_ =	shalt  }
0x60: {  	_ =	shalt  }
0x61: {  	_ =	shalt  }
0x62: {  	_ =	shalt  }
0x63: {  	_ =	shalt  }
0x64: {  	_ =	shalt  }
0x65: {  	_ =	shalt  }
0x66: {  	_ =	shalt  }
0x67: {  	_ =	shalt  }
0x68: {  	_ =	shalt  }
0x69: {  	_ =	shalt  }
0x6a: {  	_ =	shalt  }
0x6b: {  	_ =	shalt  }
0x6c: {  	_ =	shalt  }
0x6d: {  	_ =	shalt  }
0x6e: {  	_ =	shalt  }
0x6f: {  	_ =	shalt  }
0x70: {  	_ =	shalt  }
0x71: {  	_ =	shalt  }
0x72: {  	_ =	shalt  }
0x73: {  	_ =	shalt  }
0x74: {  	_ =	shalt  }
0x75: {  	_ =	shalt  }
0x76: {  	_ =	shalt  }
0x77: {  	_ =	shalt  }
0x78: {  	_ =	shalt  }
0x79: {  	_ =	shalt  }
0x7a: {  	_ =	shalt  }
0x7b: {  	_ =	shalt  }
0x7c: {  	_ =	shalt  }
0x7d: {  	_ =	shalt  }
0x7e: {  	_ =	shalt  }
0x7f: {  	_ =	shalt  }
0x80: {  	_ =	shalt  }
0x81: {  	_ =	shalt  }
0x82: {  	_ =	shalt  }
0x83: {  	_ =	shalt  }
0x84: {  	_ =	shalt  }
0x85: {  	_ =	shalt  }
0x86: {  	_ =	shalt  }
0x87: {  	_ =	shalt  }
.Lfunc_end0:
.L_simem_size_0:
called_computation.3_lowered:
.L_overlay_start_0:
0x88: {  	s2 =	sld [smem:$0x3FD9]  }
0x89: {  	s3 =	sld [smem:$0x3FFE];
	_ =	sdelay $0x1  }
0x8a: {  	s1 =	srdreg.scid  }
0x8b: {  	s0 =	sand.u32 $0x1, s1  }
0x8c: {  	s17 =	sshll.u32 s0, $0xA;
	s2 =	sadd.s32 s3, s2  }
0x8d: {  	s2 =	sadd.s32 s2, s17  }
0x8e: {  	[smem:$0x3FBC] =	sst s2  }
0x8f: {  	_ = 	snop  }
0x90: {  	s2 =	sld [smem:$0x3FD0];
	(tm) =	ssettm $0x1  }
0x91: {  	s18 =	sld [smem:$0x3FFB];
	_ =	sdelay $0x3  }
0x92: {  	_ =	strace s18  }
0x93: {  	s3 =	sld [smem:$0x3FFC];
	_ =	sdelay $0x3  }
0x94: {  	_ =	strace s3  }
0x95: {  	s3 =	sld [smem:$0x3FFD];
	_ =	sdelay $0x3  }
0x96: {  	_ =	strace s3  }
0x97: {  	_ =	strace $0x8FFFFFFF  }
0x98: {  	s19 =	sld [smem:$0x3FDB];
	_ =	sdelay $0x1  }
0x99: {  	s4 =	simm.s32 $_scs_section_size  }
0x9a: {  	s5 =	simm.s32 $_size__tile_overlayer_lowered;
	s6 =	simm.s32 $_tile_overlayer_lowered  }
0x9b: {  	s22 =	simm.s32 $0x1BFF;
	s21 =	sshll.u32 s6, $0x1;
	s3 =	sadd.s32 s4, s19  }
0x9c: {  	s7 =	simm.s32 $0x0;
	s20 =	sshll.u32 s5, $0x1;
	s5 =	sadd.s32 s21, s3  }
0x9d: {  	[timem:s7], [sflag:s22] =	dma.local [hbm:s5], s20  }
0x9e: {  	_ =	swait.ge [sflag:s22], s20  }
0x9f: {  	s4 =	ssub.s32 $0x0, s20;
	[sflag:s22] =	ssyncset.done $0x0  }
0xa0: {  	[sflag:s22] =	ssyncadd.s32 s4;
	_ =	sdelay $0x1  }
0xa1: {  	s23 =	simm.s32 $0x1B8B  }
0xa2: {  	_ =	swait.ge [sflag:s23], $0x1  }
0xa3: {  	[sflag:s23] =	ssyncset.done $0x0  }
0xa4: {  	s25 =	simm.s32 $0x1B8E;
	s24 =	sld [smem:$0x3FFE];
	[sflag:s23] =	ssyncadd.s32 $0xFFFFFFFF  }
0xa5: {  	s26 =	simm.s32 $execute0_lowered;
	[smem:$0x3FD2] =	sst s25  }
0xa6: {  	s5 =	sshll.u32 s26, $0x1;
	_ =	strace $0x8000004F;
	[dreg:$0x1] =	wrdreg $0xFFFFFFFF  }
0xa7: {  	s28 =	simm.s32 $_size_execute0_lowered;
	s3 =	sadd.s32 s3, s5;
	[dreg:$0x0] =	wrdreg $0x0  }
0xa8: {  	s5 =	sshll.u32 s28, $0x1;
	[dreg:$0x2] =	wrdreg s3  }
0xa9: {  	[dreg:$0x3] =	wrdreg s5  }
0xaa: {  	[dreg:$0x4] =	wrdreg $0xC0  }
0xab: {  	_ =	task [dreg:s7], $0x5FFFF  }
0xac: {  	[dreg:$0x1] =	wrdreg $0xFFFFFFFF  }
0xad: {  	[dreg:$0x0] =	wrdreg $0x60  }
0xae: {  	[dreg:$0x2] =	wrdreg s24  }
0xaf: {  	[dreg:$0x3] =	wrdreg s2  }
0xb0: {  	[dreg:$0x4] =	wrdreg $0x90000  }
0xb1: {  	[dreg:$0x5] =	wrdreg $0x9  }
0xb2: {  	_ =	task.clear_ibuf [dreg:s7], $0x6FFFF;
	_ =	strace $0x9000004F  }
0xb3: {  	s29 =	simm.s32 $0x9;
	_ =	strace $0x80000051  }
0xb4: {  	_ =	swait.ge [sflag:s29], $0x1  }
0xb5: {  	[sflag:s29] =	ssyncadd.s32 $0xFFFFFFFF  }
0xb6: {  	_ =	strace $0x90000051  }
0xb7: {  	_ =	sfence  }
0xb8: {  	s30 =	sld [smem:$0x0];
	_ =	sdelay $0x2  }
0xb9: {  	s31 =	sshll.u32 s1, $0xD;
	s1 =	sshrl.u32 s1, $0x2  }
0xba: {  	s3 =	sand.u32 $0x4000, s31;
	s1 =	sadd.s32 s1, s30  }
0xbb: {  	s0 =	sor.u32 s3, s0;
	s1 =	sshll.u32 s1, $0x11  }
0xbc: {  	s0 =	sor.u32 s1, s0  }
0xbd: {  	s0 =	sadd.s32 $0x8F2B, s0  }
0xbe: {  	[sflag:s0] =	ssyncadd.remote.s32 $0x1  }
0xbf: {  	_ =	sfence.sel $0xFFFF  }
0xc0: {  	[dreg:$0x0] =	wrdreg $0xFFFFFFFF;
	(pc) =	sbr.abs _section_cstart, $3  }
0xc1: {  	[dreg:$0x1] =	wrdreg $0xFFFFFFFF  }
0xc2: {  	_ =	task.clear_ibuf [dreg:s7], $0x2FFFF;
	_ =	strace $0x9FFFFFFF  }
0xc3: {  	(tm) =	ssettm $0x7FFFFFFF  }
tec
execute0_lowered:
.L_overlay_start_1:
0x0: {  	(tag) =	ssettag $0x1  }
0x1: {  	s1 =	srdreg.scid;
	s6 =	rddreg [dreg:$0x0]  }
0x2: {  	s0 =	stileid.u32;
	s8 =	rddreg [dreg:$0x1]  }
0x3: {  	s2 =	rddreg [dreg:$0x2];
	s3 =	simm.s32 $0x0;
	s14 =	simm.s32 $0x80  }
0x4: {  	s15 =	simm.s32 $0x5000;
	s16 =	simm.s32 $0x1;
	s17 =	simm.s32 $0x0  }
0x5: {  	s7 =	sand.u32 $0x1, s1;
	s29 =	sshll.u32 s0, $0x1;
	s10 =	smul.u32 $0x14000, s0  }
0x6: {  	[smem:$0x7FF] =	sst s3;
	s4 =	sadd.s32 $0x10000, s6;
	s12 =	smul.u32 $0x50000, s0  }
0x7: {  	s31 =	sshll.u32 s0, $0x6;
	s1 =	sor.u32 s7, s29;
	s5 =	smul.u32 $0x140000, s7  }
0x8: {  	s7 =	ssub.s32 $0x2, s7;
	s9 =	smul.u32 $0x500, s1;
	s1 =	rddreg [dreg:$0x3]  }
0x9: {  	_ =	strace $0x80000050;
	s30 =	sshrl.u32 s7, $0x1;
	s12 =	sshrl.u32 s12, $0x2  }
0xa: {  	s10 =	sadd.s32 s10, s5;
	s5 =	sadd.s32 $0x38000, s6;
	s13 =	ssub.s32 s7, s30  }
0xb: {  	s12 =	sadd.s32 s12, s2;
	s11 =	sadd.s32 s9, s6;
	s10 =	sshrl.u32 s10, $0x3  }
0xc: {  	s7 =	sadd.s32 s8, s9;
	s10 =	sadd.s32 s10, s6;
	s6 =	sor.u32 $0x1C02, s31  }
0xd: {  	s8 =	sadd.s32 $0x6000, s11;
	s11 =	sshrl.u32 s12, $0x3;
	s12 =	simm.s32 $0x2  }
0xe: {  	s9 =	sadd.s32 $0x62800, s10;
	s10 =	smax.u32 s13, $0x1;
	s13 =	simm.s32 $0x2800  }
.LBB2_1:
0xf: {  	[spmem:s11], [sflag:s6] =	dma.local [hbm:s5], $0x2800  }
0x10: {  	_ =	swait.ge [sflag:s12], $0x2800  }
0x11: {  	[sflag:s12] =	ssyncset.done $0x0  }
0x12: {  	[sflag:s12] =	ssyncadd.s32 $0xFFFFD800  }
0x13: {  	[tilespmem:s3], [sflag:$0x2] =	stream.linear.gather [hbm4b:s7+s3], $0x2800, $0x38;
	[tilespmem:$0x1D000] =	vst v63  }
0x14: {  	_ =	swait.ge [sflag:s12], $0x2800  }
0x15: {  	[sflag:s12] =	ssyncset.done $0x0  }
0x16: {  	[sflag:s12] =	ssyncadd.s32 $0xFFFFD800  }
0x17: {  	[tilespmem:s13], [sflag:$0x2] =	stream.linear.gather [hbm4b:s8+s3], $0x2800, $0x38;
	[tilespmem:$0x1D000] =	vst v63  }
0x18: {  	_ =	swait.ge [sflag:s12], $0x2800  }
0x19: {  	[sflag:s12] =	ssyncset.done $0x0  }
0x1a: {  	[sflag:s12] =	ssyncadd.s32 $0xFFFFD800  }
0x1b: {  	s18 =	simm.s32 $0x0;
	[bflag:$0x0] =	sbarrier.arrive $0xFFFF  }
0x1c: {  	[tilespmem:s15], [sflag:$0x1] =	stream.indirect.gather [hbm4b:s4+s14], $0x80, s18, s14, $0xb8;
	[tilespmem:$0x1D000] =	vst v63  }
0x1d: {  	_ =	swait.ge [sflag:s16], $0x4000  }
0x1e: {  	[sflag:s16] =	ssyncset.done $0x0  }
0x1f: {  	s31 =	simm.s32 $0x2800;
	[sflag:s16] =	ssyncadd.s32 $0xFFFFC000  }
0x20: {  	[spmem:s2] =	stream.indirect.scatter.add.f32 [tilespmem:s15], [sflag:$0x2], $0x80, s31, s14, $0xb8;
	[tilespmem:$0x1D000] =	vst v63  }
0x21: {  	_ =	swait.ge [sflag:s12], $0x4000  }
0x22: {  	s19 =	simm.s32 $0x400;
	s18 =	simm.s32 $0x200;
	[sflag:s12] =	ssyncset.done $0x0  }
.LBB2_2:
0x23: {  	s20 =	sshra.s32 s18, $0x2  }
0x24: {  	[sflag:s12] =	ssyncadd.s32 $0xFFFFC000;
	s18 =	smov.u32 s19;
	s21 =	sadd.s32 $0x200, s19  }
0x25: {  	[tilespmem:s15], [sflag:$0x1] =	stream.indirect.gather [hbm4b:s4+s14], $0x80, s20, s14, $0xb8;
	[tilespmem:$0x1D000] =	vst v63  }
0x26: {  	p0 =	sne.s32 s19, $0x9E00;
	_ =	swait.ge [sflag:s16], $0x4000  }
.Ltmp0:
0x27: {  	[sflag:s16] =	ssyncset.done $0x0;
	(pc) =	sbr.rel @p0 .LBB2_2-.Ltmp0, $4  }
0x28: {  	s19 =	sadd.s32 $0x2800, s20;
	[sflag:s16] =	ssyncadd.s32 $0xFFFFC000  }
0x29: {  	[spmem:s2] =	stream.indirect.scatter.add.f32 [tilespmem:s15], [sflag:$0x2], $0x80, s19, s14, $0xb8;
	[tilespmem:$0x1D000] =	vst v63  }
0x2a: {  	_ =	swait.ge [sflag:s12], $0x4000  }
0x2b: {  	s19 =	smov.u32 s21;
	[sflag:s12] =	ssyncset.done $0x0  }
0x2c: {  	s18 =	sshra.s32 s18, $0x2;
	[sflag:s12] =	ssyncadd.s32 $0xFFFFC000  }
0x2d: {  	[tilespmem:s15], [sflag:$0x1] =	stream.indirect.gather [hbm4b:s4+s14], $0x80, s18, s14, $0xb8;
	[tilespmem:$0x1D000] =	vst v63  }
0x2e: {  	_ =	swait.ge [sflag:s16], $0x4000  }
0x2f: {  	[sflag:s16] =	ssyncset.done $0x0  }
0x30: {  	s18 =	sadd.s32 $0x2800, s18;
	[sflag:s16] =	ssyncadd.s32 $0xFFFFC000  }
0x31: {  	[spmem:s2] =	stream.indirect.scatter.add.f32 [tilespmem:s15], [sflag:$0x2], $0x80, s18, s14, $0xb8;
	[tilespmem:$0x1D000] =	vst v63  }
0x32: {  	_ =	swait.ge [sflag:s12], $0x4000  }
0x33: {  	s17 =	sadd.s32 $0x1, s17;
	[sflag:s12] =	ssyncset.done $0x0  }
0x34: {  	p0 =	sne.s32 s17, s10;
	[sflag:s12] =	ssyncadd.s32 $0xFFFFC000  }
.Ltmp1:
0x35: {  	[bflag:$0x0] =	sbarrier.arrive $0xFFFF;
	(pc) =	sbr.rel @p0 .LBB2_1-.Ltmp1, $4  }
0x36: {  	[hbm:s9], [sflag:s6] =	dma.local [spmem:s11], $0x2800  }
0x37: {  	_ =	swait.ge [sflag:s12], $0x2800  }
0x38: {  	[sflag:s12] =	ssyncset.done $0x0  }
0x39: {  	[sflag:s12] =	ssyncadd.s32 $0xFFFFD800  }
0x3a: {  	_ =	sfence.sel $0x180000  }
0x3b: {  	[bflag:$0x0] =	sbarrier.arrive $0xFFFF  }
0x3c: {  	p0 =	sne.s32 s0, $0x0;
	_ =	strace $0x90000050  }
0x3d: {  	s0 =	sadd.s32 @!p0 $0x100000, s1;
	[bflag:$0x2] =	sbarrier.arrive $0xFFFF  }
0x3e: {  	[sflag:s0] =	ssyncadd.tile.s32 @!p0 $0x1;
	_ =	shalt  }
.Lfunc_end2:
_tile_overlayer_lowered:
.L_overlay_start_2:
0x3f: {  	(tag) =	ssettag $0x2  }
0x40: {  	s0 =	rddreg [dreg:$0x0];
	s2 =	stileid.u32  }
0x41: {  	s1 =	rddreg [dreg:$0x1];
	p0 =	sne.s32 s2, $0x0  }
0x42: {  	s3 =	rddreg [dreg:$0x2];
	[bflag:$0x3] =	sbarrier.arrive $0xFFFF;
	s2 =	simm.s32 @!p0 $0x1C02  }
0x43: {  	[timem:s3], [sflag:s2] =	dma.local @!p0 [hbm:s0], s1  }
0x44: {  	s0 =	simm.s32 @!p0 $0x2  }
0x45: {  	_ =	swait.ge @!p0 [sflag:s0], s1  }
0x46: {  	s1 =	ssub.s32 @!p0 $0x0, s1;
	[sflag:s0] =	ssyncset.done @!p0 $0x0  }
0x47: {  	[sflag:s0] =	ssyncadd.s32 @!p0 s1  }
0x48: {  	[bflag:$0x3] =	sbarrier.arrive $0xFFFF  }
0x49: {  	_ =	shalt  }

// kernel: kernel.24.cloned.1.call-start
scs
__scs_entry_jumppad:
0x0: {  	(pc) =	sbr.rel $0x88, $3  }
0x1: {  	(tag) =	ssettag $0x0;
	lr =	simm.s32 $0x1  }
0x2: {  	[smem:$0x3F95] =	sst lr;
	_ =	strace $0xD0000000  }
0x3: {  	_ = 	snop  }
0x4: {  	_ = 	snop  }
0x5: {  	_ = 	snop  }
0x6: {  	_ = 	snop  }
0x7: {  	_ = 	snop  }
__scs_overlays_trampoline_lowered:
0x8: {  	[smem:$0x3FA4] =	sst s0  }
0x9: {  	[smem:$0x3FA5] =	sst s1  }
0xa: {  	[smem:$0x3FA6] =	sst s2  }
0xb: {  	[smem:$0x3FA7] =	sst s3  }
0xc: {  	[smem:$0x3FA8] =	sst s4  }
0xd: {  	[smem:$0x3FA9] =	sst s5  }
0xe: {  	[smem:$0x3FAA] =	sst s6  }
0xf: {  	[smem:$0x3FAB] =	sst s7  }
0x10: {  	[smem:$0x3FAC] =	sst s8  }
0x11: {  	[smem:$0x3FAD] =	sst s9;
	s0 =	simm.s32 @!p0 $0x0  }
0x12: {  	s1 =	sld [smem:$0x3F93];
	s0 =	simm.s32 @p0 $0x1  }
0x13: {  	[smem:$0x3FAE] =	sst s0;
	s0 =	simm.s32 @!p1 $0x0  }
0x14: {  	s2 =	sld [smem:$0x3F92];
	s0 =	simm.s32 @p1 $0x1  }
0x15: {  	[smem:$0x3FAF] =	sst s0;
	s0 =	simm.s32 @!p2 $0x0  }
0x16: {  	s3 =	sld [smem:$0x3FDB];
	s0 =	simm.s32 @p2 $0x1  }
0x17: {  	s4 =	simm.s32 $0x1BF5;
	[smem:$0x3FB1] =	sst s0  }
0x18: {  	s0 =	sld [smem:$0x3F94];
	_ =	swait.ge [sflag:s4], $0x0  }
0x19: {  	s7 =	sld [smem:$0x3F95]  }
0x1a: {  	s8 =	sadd.s32 $0xFFFFE003, lr  }
0x1b: {  	s9 =	sadd.s32 $0xFFFFFEF7, lr;
	s5 =	simm.s32 $0xFFFFFFFF;
	p2 =	slt.u32 s8, $0xFFFFF086  }
0x1c: {  	p1 =	slt.u32 s9, $0xF7A;
	s5 =	simm.s32 @!p2 $0x0  }
0x1d: {  	s5 =	simm.s32 @p1 $0x1;
	p0 =	seq.s32 s7, s2  }
0x1e: {  	s7 =	smul.u32 @!p0 $0xF7A, s2;
	p2 =	seq.s32 @!p0 s5, $0x0  }
0x1f: {  	s9 =	smul.u32 $0xF7A, s1;
	s8 =	simm.s32 @!p0 $0x1BF5;
	p2 =	por !p2, p0  }
0x20: {  	[sflag:s8] =	ssyncset.s32 @!p0 $0xFFFFF086;
	s6 =	sadd.s32 @!p0 s3, s7;
	s7 =	simm.s32 @!p0 $0x108  }
0x21: {  	s3 =	sadd.s32 s3, s9;
	s6 =	sadd.s32 @!p0 $0x88, s6;
	s7 =	simm.s32 @p2 $0x1082  }
0x22: {  	[simem:s7], [sflag:s8] =	dma.local @!p0 [hbm:s6], $0xF7A  }
0x23: {  	s9 =	sor.u32 $0xD0000000, s2;
	s6 =	simm.s32 $0x108;
	_ =	swait.ge @!p0 [sflag:s8], $0x0  }
0x24: {  	s3 =	sadd.s32 $0x88, s3;
	s6 =	simm.s32 @!p1 $0x1082;
	[sflag:s4] =	ssyncset.s32 $0xFFFFF086  }
0x25: {  	[simem:s6], [sflag:s4] =	dma.local [hbm:s3], $0xF7A  }
0x26: {  	[smem:$0x3F95] =	sst s1;
	(tag) =	ssettag s2;
	_ =	strace s9  }
0x27: {  	s1 =	sld [smem:$0x3FA5]  }
0x28: {  	s2 =	sld [smem:$0x3FA6]  }
0x29: {  	s4 =	sld [smem:$0x3FA8]  }
0x2a: {  	p0 =	seq.s32 s5, $0x0;
	s5 =	sld [smem:$0x3FA9]  }
0x2b: {  	s6 =	sld [smem:$0x3FAA]  }
0x2c: {  	s7 =	sld [smem:$0x3FAB]  }
0x2d: {  	s3 =	simm.s32 $0x108;
	s8 =	sld [smem:$0x3FAC]  }
0x2e: {  	s3 =	simm.s32 @!p0 $0x1082;
	s9 =	sld [smem:$0x3FAD]  }
0x2f: {  	lr =	sadd.s32 s0, s3;
	s0 =	sld [smem:$0x3FA4]  }
0x30: {  	s3 =	sld [smem:$0x3FA7]  }
0x31: {  	[smem:$0x3FB0] =	sst s10  }
0x32: {  	s10 =	sld [smem:$0x3FAE];
	_ =	sdelay $0x3  }
0x33: {  	p0 =	seq.s32 s10, $0x1;
	s10 =	sld [smem:$0x3FB0];
	_ =	sdelay $0x3  }
0x34: {  	[smem:$0x3FB0] =	sst s10  }
0x35: {  	s10 =	sld [smem:$0x3FAF];
	_ =	sdelay $0x3  }
0x36: {  	p1 =	seq.s32 s10, $0x1;
	s10 =	sld [smem:$0x3FB0];
	_ =	sdelay $0x3  }
0x37: {  	[smem:$0x3FB0] =	sst s10  }
0x38: {  	s10 =	sld [smem:$0x3FB1]  }
0x39: {  	_ = 	snop;
	(pc) =	sbr.ind lr, $3  }
0x3a: {  	_ = 	snop  }
0x3b: {  	_ = 	snop  }
0x3c: {  	p2 =	seq.s32 s10, $0x1;
	s10 =	sld [smem:$0x3FB0]  }
0x3d: {  	_ =	shalt  }
0x3e: {  	_ =	shalt  }
0x3f: {  	_ =	shalt  }
0x40: {  	_ =	shalt  }
0x41: {  	_ =	shalt  }
0x42: {  	_ =	shalt  }
0x43: {  	_ =	shalt  }
0x44: {  	_ =	shalt  }
0x45: {  	_ =	shalt  }
0x46: {  	_ =	shalt  }
0x47: {  	_ =	shalt  }
0x48: {  	_ =	shalt  }
0x49: {  	_ =	shalt  }
0x4a: {  	_ =	shalt  }
0x4b: {  	_ =	shalt  }
0x4c: {  	_ =	shalt  }
0x4d: {  	_ =	shalt  }
0x4e: {  	_ =	shalt  }
0x4f: {  	_ =	shalt  }
0x50: {  	_ =	shalt  }
0x51: {  	_ =	shalt  }
0x52: {  	_ =	shalt  }
0x53: {  	_ =	shalt  }
0x54: {  	_ =	shalt  }
0x55: {  	_ =	shalt  }
0x56: {  	_ =	shalt  }
0x57: {  	_ =	shalt  }
0x58: {  	_ =	shalt  }
0x59: {  	_ =	shalt  }
0x5a: {  	_ =	shalt  }
0x5b: {  	_ =	shalt  }
0x5c: {  	_ =	shalt  }
0x5d: {  	_ =	shalt  }
0x5e: {  	_ =	shalt  }
0x5f: {  	_ =	shalt  }
0x60: {  	_ =	shalt  }
0x61: {  	_ =	shalt  }
0x62: {  	_ =	shalt  }
0x63: {  	_ =	shalt  }
0x64: {  	_ =	shalt  }
0x65: {  	_ =	shalt  }
0x66: {  	_ =	shalt  }
0x67: {  	_ =	shalt  }
0x68: {  	_ =	shalt  }
0x69: {  	_ =	shalt  }
0x6a: {  	_ =	shalt  }
0x6b: {  	_ =	shalt  }
0x6c: {  	_ =	shalt  }
0x6d: {  	_ =	shalt  }
0x6e: {  	_ =	shalt  }
0x6f: {  	_ =	shalt  }
0x70: {  	_ =	shalt  }
0x71: {  	_ =	shalt  }
0x72: {  	_ =	shalt  }
0x73: {  	_ =	shalt  }
0x74: {  	_ =	shalt  }
0x75: {  	_ =	shalt  }
0x76: {  	_ =	shalt  }
0x77: {  	_ =	shalt  }
0x78: {  	_ =	shalt  }
0x79: {  	_ =	shalt  }
0x7a: {  	_ =	shalt  }
0x7b: {  	_ =	shalt  }
0x7c: {  	_ =	shalt  }
0x7d: {  	_ =	shalt  }
0x7e: {  	_ =	shalt  }
0x7f: {  	_ =	shalt  }
0x80: {  	_ =	shalt  }
0x81: {  	_ =	shalt  }
0x82: {  	_ =	shalt  }
0x83: {  	_ =	shalt  }
0x84: {  	_ =	shalt  }
0x85: {  	_ =	shalt  }
0x86: {  	_ =	shalt  }
0x87: {  	_ =	shalt  }
.Lfunc_end0:
.L_simem_size_0:
called_computation.4_lowered:
.L_overlay_start_0:
0x88: {  	s2 =	sld [smem:$0x3FD9]  }
0x89: {  	s3 =	sld [smem:$0x3FFE];
	_ =	sdelay $0x1  }
0x8a: {  	s1 =	srdreg.scid  }
0x8b: {  	s0 =	sand.u32 $0x1, s1  }
0x8c: {  	s17 =	sshll.u32 s0, $0xA;
	s2 =	sadd.s32 s3, s2  }
0x8d: {  	s2 =	sadd.s32 s2, s17  }
0x8e: {  	[smem:$0x3FBC] =	sst s2  }
0x8f: {  	_ = 	snop  }
0x90: {  	s2 =	sld [smem:$0x3FD0];
	(tm) =	ssettm $0x1  }
0x91: {  	s18 =	sld [smem:$0x3FFB];
	_ =	sdelay $0x3  }
0x92: {  	_ =	strace s18  }
0x93: {  	s3 =	sld [smem:$0x3FFC];
	_ =	sdelay $0x3  }
0x94: {  	_ =	strace s3  }
0x95: {  	s3 =	sld [smem:$0x3FFD];
	_ =	sdelay $0x3  }
0x96: {  	_ =	strace s3  }
0x97: {  	_ =	strace $0x8FFFFFFF  }
0x98: {  	s19 =	sld [smem:$0x3FDB];
	_ =	sdelay $0x1  }
0x99: {  	s4 =	simm.s32 $_scs_section_size  }
0x9a: {  	s5 =	simm.s32 $_size__tile_overlayer_lowered;
	s6 =	simm.s32 $_tile_overlayer_lowered  }
0x9b: {  	s22 =	simm.s32 $0x1BFF;
	s21 =	sshll.u32 s6, $0x1;
	s3 =	sadd.s32 s4, s19  }
0x9c: {  	s7 =	simm.s32 $0x0;
	s20 =	sshll.u32 s5, $0x1;
	s5 =	sadd.s32 s21, s3  }
0x9d: {  	[timem:s7], [sflag:s22] =	dma.local [hbm:s5], s20  }
0x9e: {  	_ =	swait.ge [sflag:s22], s20  }
0x9f: {  	s4 =	ssub.s32 $0x0, s20;
	[sflag:s22] =	ssyncset.done $0x0  }
0xa0: {  	[sflag:s22] =	ssyncadd.s32 s4;
	_ =	sdelay $0x1  }
0xa1: {  	s23 =	simm.s32 $0x1B8B  }
0xa2: {  	_ =	swait.ge [sflag:s23], $0x1  }
0xa3: {  	[sflag:s23] =	ssyncset.done $0x0  }
0xa4: {  	s25 =	simm.s32 $0x1B8E;
	s24 =	sld [smem:$0x3FFE];
	[sflag:s23] =	ssyncadd.s32 $0xFFFFFFFF  }
0xa5: {  	s26 =	simm.s32 $execute0_lowered;
	[smem:$0x3FD2] =	sst s25  }
0xa6: {  	s5 =	sshll.u32 s26, $0x1;
	_ =	strace $0x80000052;
	[dreg:$0x1] =	wrdreg $0xFFFFFFFF  }
0xa7: {  	s28 =	simm.s32 $_size_execute0_lowered;
	s3 =	sadd.s32 s3, s5;
	[dreg:$0x0] =	wrdreg $0x0  }
0xa8: {  	s5 =	sshll.u32 s28, $0x1;
	[dreg:$0x2] =	wrdreg s3  }
0xa9: {  	[dreg:$0x3] =	wrdreg s5  }
0xaa: {  	[dreg:$0x4] =	wrdreg $0xC0  }
0xab: {  	_ =	task [dreg:s7], $0x5FFFF  }
0xac: {  	[dreg:$0x1] =	wrdreg $0xFFFFFFFF  }
0xad: {  	[dreg:$0x0] =	wrdreg $0x60  }
0xae: {  	[dreg:$0x2] =	wrdreg s24  }
0xaf: {  	[dreg:$0x3] =	wrdreg s2  }
0xb0: {  	[dreg:$0x4] =	wrdreg $0x90000  }
0xb1: {  	[dreg:$0x5] =	wrdreg $0x9  }
0xb2: {  	_ =	task.clear_ibuf [dreg:s7], $0x6FFFF;
	_ =	strace $0x90000052  }
0xb3: {  	s29 =	simm.s32 $0x9;
	_ =	strace $0x80000054  }
0xb4: {  	_ =	swait.ge [sflag:s29], $0x1  }
0xb5: {  	[sflag:s29] =	ssyncadd.s32 $0xFFFFFFFF  }
0xb6: {  	_ =	strace $0x90000054  }
0xb7: {  	_ =	sfence  }
0xb8: {  	s30 =	sld [smem:$0x0];
	_ =	sdelay $0x2  }
0xb9: {  	s31 =	sshll.u32 s1, $0xD;
	s1 =	sshrl.u32 s1, $0x2  }
0xba: {  	s3 =	sand.u32 $0x4000, s31;
	s1 =	sadd.s32 s1, s30  }
0xbb: {  	s0 =	sor.u32 s3, s0;
	s1 =	sshll.u32 s1, $0x11  }
0xbc: {  	s0 =	sor.u32 s1, s0  }
0xbd: {  	s0 =	sadd.s32 $0x8F2B, s0  }
0xbe: {  	[sflag:s0] =	ssyncadd.remote.s32 $0x1  }
0xbf: {  	_ =	sfence.sel $0xFFFF  }
0xc0: {  	[dreg:$0x0] =	wrdreg $0xFFFFFFFF;
	(pc) =	sbr.abs _section_cstart, $3  }
0xc1: {  	[dreg:$0x1] =	wrdreg $0xFFFFFFFF  }
0xc2: {  	_ =	task.clear_ibuf [dreg:s7], $0x2FFFF;
	_ =	strace $0x9FFFFFFF  }
0xc3: {  	(tm) =	ssettm $0x7FFFFFFF  }
tec
execute0_lowered:
.L_overlay_start_1:
0x0: {  	(tag) =	ssettag $0x1  }
0x1: {  	s1 =	srdreg.scid;
	s6 =	rddreg [dreg:$0x0]  }
0x2: {  	s0 =	stileid.u32;
	s8 =	rddreg [dreg:$0x1]  }
0x3: {  	s2 =	rddreg [dreg:$0x2];
	s3 =	simm.s32 $0x0;
	s14 =	simm.s32 $0x80  }
0x4: {  	s15 =	simm.s32 $0x5000;
	s16 =	simm.s32 $0x1;
	s17 =	simm.s32 $0x0  }
0x5: {  	s7 =	sand.u32 $0x1, s1;
	s29 =	sshll.u32 s0, $0x1;
	s10 =	smul.u32 $0x14000, s0  }
0x6: {  	[smem:$0x7FF] =	sst s3;
	s4 =	sadd.s32 $0x10000, s6;
	s12 =	smul.u32 $0x50000, s0  }
0x7: {  	s31 =	sshll.u32 s0, $0x6;
	s1 =	sor.u32 s7, s29;
	s5 =	smul.u32 $0x140000, s7  }
0x8: {  	s7 =	ssub.s32 $0x2, s7;
	s9 =	smul.u32 $0x500, s1;
	s1 =	rddreg [dreg:$0x3]  }
0x9: {  	_ =	strace $0x80000053;
	s30 =	sshrl.u32 s7, $0x1;
	s12 =	sshrl.u32 s12, $0x2  }
0xa: {  	s10 =	sadd.s32 s10, s5;
	s5 =	sadd.s32 $0x38000, s6;
	s13 =	ssub.s32 s7, s30  }
0xb: {  	s12 =	sadd.s32 s12, s2;
	s11 =	sadd.s32 s9, s6;
	s10 =	sshrl.u32 s10, $0x3  }
0xc: {  	s7 =	sadd.s32 s8, s9;
	s10 =	sadd.s32 s10, s6;
	s6 =	sor.u32 $0x1C02, s31  }
0xd: {  	s8 =	sadd.s32 $0x6000, s11;
	s11 =	sshrl.u32 s12, $0x3;
	s12 =	simm.s32 $0x2  }
0xe: {  	s9 =	sadd.s32 $0x8A800, s10;
	s10 =	smax.u32 s13, $0x1;
	s13 =	simm.s32 $0x2800  }
.LBB2_1:
0xf: {  	[spmem:s11], [sflag:s6] =	dma.local [hbm:s5], $0x2800  }
0x10: {  	_ =	swait.ge [sflag:s12], $0x2800  }
0x11: {  	[sflag:s12] =	ssyncset.done $0x0  }
0x12: {  	[sflag:s12] =	ssyncadd.s32 $0xFFFFD800  }
0x13: {  	[tilespmem:s3], [sflag:$0x2] =	stream.linear.gather [hbm4b:s7+s3], $0x2800, $0x38;
	[tilespmem:$0x1D000] =	vst v63  }
0x14: {  	_ =	swait.ge [sflag:s12], $0x2800  }
0x15: {  	[sflag:s12] =	ssyncset.done $0x0  }
0x16: {  	[sflag:s12] =	ssyncadd.s32 $0xFFFFD800  }
0x17: {  	[tilespmem:s13], [sflag:$0x2] =	stream.linear.gather [hbm4b:s8+s3], $0x2800, $0x38;
	[tilespmem:$0x1D000] =	vst v63  }
0x18: {  	_ =	swait.ge [sflag:s12], $0x2800  }
0x19: {  	[sflag:s12] =	ssyncset.done $0x0  }
0x1a: {  	[sflag:s12] =	ssyncadd.s32 $0xFFFFD800  }
0x1b: {  	s18 =	simm.s32 $0x0;
	[bflag:$0x0] =	sbarrier.arrive $0xFFFF  }
0x1c: {  	[tilespmem:s15], [sflag:$0x1] =	stream.indirect.gather [hbm4b:s4+s14], $0x80, s18, s14, $0xb8;
	[tilespmem:$0x1D000] =	vst v63  }
0x1d: {  	_ =	swait.ge [sflag:s16], $0x4000  }
0x1e: {  	[sflag:s16] =	ssyncset.done $0x0  }
0x1f: {  	s31 =	simm.s32 $0x2800;
	[sflag:s16] =	ssyncadd.s32 $0xFFFFC000  }
0x20: {  	[spmem:s2] =	stream.indirect.scatter.add.f32 [tilespmem:s15], [sflag:$0x2], $0x80, s31, s14, $0xb8;
	[tilespmem:$0x1D000] =	vst v63  }
0x21: {  	_ =	swait.ge [sflag:s12], $0x4000  }
0x22: {  	s19 =	simm.s32 $0x400;
	s18 =	simm.s32 $0x200;
	[sflag:s12] =	ssyncset.done $0x0  }
.LBB2_2:
0x23: {  	s20 =	sshra.s32 s18, $0x2  }
0x24: {  	[sflag:s12] =	ssyncadd.s32 $0xFFFFC000;
	s18 =	smov.u32 s19;
	s21 =	sadd.s32 $0x200, s19  }
0x25: {  	[tilespmem:s15], [sflag:$0x1] =	stream.indirect.gather [hbm4b:s4+s14], $0x80, s20, s14, $0xb8;
	[tilespmem:$0x1D000] =	vst v63  }
0x26: {  	p0 =	sne.s32 s19, $0x9E00;
	_ =	swait.ge [sflag:s16], $0x4000  }
.Ltmp0:
0x27: {  	[sflag:s16] =	ssyncset.done $0x0;
	(pc) =	sbr.rel @p0 .LBB2_2-.Ltmp0, $4  }
0x28: {  	s19 =	sadd.s32 $0x2800, s20;
	[sflag:s16] =	ssyncadd.s32 $0xFFFFC000  }
0x29: {  	[spmem:s2] =	stream.indirect.scatter.add.f32 [tilespmem:s15], [sflag:$0x2], $0x80, s19, s14, $0xb8;
	[tilespmem:$0x1D000] =	vst v63  }
0x2a: {  	_ =	swait.ge [sflag:s12], $0x4000  }
0x2b: {  	s19 =	smov.u32 s21;
	[sflag:s12] =	ssyncset.done $0x0  }
0x2c: {  	s18 =	sshra.s32 s18, $0x2;
	[sflag:s12] =	ssyncadd.s32 $0xFFFFC000  }
0x2d: {  	[tilespmem:s15], [sflag:$0x1] =	stream.indirect.gather [hbm4b:s4+s14], $0x80, s18, s14, $0xb8;
	[tilespmem:$0x1D000] =	vst v63  }
0x2e: {  	_ =	swait.ge [sflag:s16], $0x4000  }
0x2f: {  	[sflag:s16] =	ssyncset.done $0x0  }
0x30: {  	s18 =	sadd.s32 $0x2800, s18;
	[sflag:s16] =	ssyncadd.s32 $0xFFFFC000  }
0x31: {  	[spmem:s2] =	stream.indirect.scatter.add.f32 [tilespmem:s15], [sflag:$0x2], $0x80, s18, s14, $0xb8;
	[tilespmem:$0x1D000] =	vst v63  }
0x32: {  	_ =	swait.ge [sflag:s12], $0x4000  }
0x33: {  	s17 =	sadd.s32 $0x1, s17;
	[sflag:s12] =	ssyncset.done $0x0  }
0x34: {  	p0 =	sne.s32 s17, s10;
	[sflag:s12] =	ssyncadd.s32 $0xFFFFC000  }
.Ltmp1:
0x35: {  	[bflag:$0x0] =	sbarrier.arrive $0xFFFF;
	(pc) =	sbr.rel @p0 .LBB2_1-.Ltmp1, $4  }
0x36: {  	[hbm:s9], [sflag:s6] =	dma.local [spmem:s11], $0x2800  }
0x37: {  	_ =	swait.ge [sflag:s12], $0x2800  }
0x38: {  	[sflag:s12] =	ssyncset.done $0x0  }
0x39: {  	[sflag:s12] =	ssyncadd.s32 $0xFFFFD800  }
0x3a: {  	_ =	sfence.sel $0x180000  }
0x3b: {  	[bflag:$0x0] =	sbarrier.arrive $0xFFFF  }
0x3c: {  	p0 =	sne.s32 s0, $0x0;
	_ =	strace $0x90000053  }
0x3d: {  	s0 =	sadd.s32 @!p0 $0x100000, s1;
	[bflag:$0x2] =	sbarrier.arrive $0xFFFF  }
0x3e: {  	[sflag:s0] =	ssyncadd.tile.s32 @!p0 $0x1;
	_ =	shalt  }
.Lfunc_end2:
_tile_overlayer_lowered:
.L_overlay_start_2:
0x3f: {  	(tag) =	ssettag $0x2  }
0x40: {  	s0 =	rddreg [dreg:$0x0];
	s2 =	stileid.u32  }
0x41: {  	s1 =	rddreg [dreg:$0x1];
	p0 =	sne.s32 s2, $0x0  }
0x42: {  	s3 =	rddreg [dreg:$0x2];
	[bflag:$0x3] =	sbarrier.arrive $0xFFFF;
	s2 =	simm.s32 @!p0 $0x1C02  }
0x43: {  	[timem:s3], [sflag:s2] =	dma.local @!p0 [hbm:s0], s1  }
0x44: {  	s0 =	simm.s32 @!p0 $0x2  }
0x45: {  	_ =	swait.ge @!p0 [sflag:s0], s1  }
0x46: {  	s1 =	ssub.s32 @!p0 $0x0, s1;
	[sflag:s0] =	ssyncset.done @!p0 $0x0  }
0x47: {  	[sflag:s0] =	ssyncadd.s32 @!p0 s1  }
0x48: {  	[bflag:$0x3] =	sbarrier.arrive $0xFFFF  }
0x49: {  	_ =	shalt  }

</sc_bundles>
